<compile_context>
chip_gen: v7x
topology: tpu7x:2x2x1
jax: 0.10.2.dev20260603
libtpu: 0.0.44.dev20260713+nightly
codegen_flags: <defaults>
</compile_context>

<pallas_src>
import functools

import jax
import jax.numpy as jnp
from jax import lax
from jax.experimental import pallas as pl
from jax.experimental.pallas import tpu as pltpu
from jax.experimental.pallas import tpu_sc as plsc

_E = 16
_TOP_K = 2
_ALPHA = 0.01
_LANES = 16
_NWORK = 32


def _logits_kernel(x_ref, w_ref, out_ref):
    out_ref[...] = jax.lax.dot_general(
        w_ref[...], x_ref[...],
        dimension_numbers=(((1,), (1,)), ((), ())),
        preferred_element_type=jnp.float32,
    )


def _sc_gate(logits_hbm, i1_hbm, i2_hbm, w1_hbm, w2_hbm, r1_hbm, r2_hbm,
             pi_hbm, cnt_hbm,
             log_v, i1_v, i2_v, w1_v, w2_v, r1_v, r2_v, pi_v, cnt_v,
             *, n_tokens):
    tpw = n_tokens // _NWORK
    nb = tpw // _LANES
    wid = lax.axis_index("s") * 2 + lax.axis_index("c")
    base = wid * tpw

    pltpu.sync_copy(logits_hbm.at[:, pl.ds(base, tpw)], log_v)

    for e in range(_E):
        pi_v[e] = jnp.zeros((_LANES,), jnp.float32)
        cnt_v[e] = jnp.zeros((_LANES,), jnp.float32)

    lane = lax.iota(jnp.int32, _LANES)

    def batch(j, carry):
        off = j * _LANES
        s = [log_v[e, pl.ds(off, _LANES)] for e in range(_E)]
        m = s[0]
        for e in range(1, _E):
            m = jnp.maximum(m, s[e])
        ex = [jnp.exp(s[e] - m) for e in range(_E)]
        tot = ex[0]
        for e in range(1, _E):
            tot = tot + ex[e]
        inv = 1.0 / tot
        p = [ex[e] * inv for e in range(_E)]

        m1 = p[0]
        for e in range(1, _E):
            m1 = jnp.maximum(m1, p[e])
        i1 = jnp.where(p[0] == m1, 0, _E)
        for e in range(1, _E):
            i1 = jnp.minimum(i1, jnp.where(p[e] == m1, e, _E))

        pm = [jnp.where(i1 == e, -jnp.inf, p[e]) for e in range(_E)]
        m2 = pm[0]
        for e in range(1, _E):
            m2 = jnp.maximum(m2, pm[e])
        i2 = jnp.where(pm[0] == m2, 0, _E)
        for e in range(1, _E):
            i2 = jnp.minimum(i2, jnp.where(pm[e] == m2, e, _E))

        i1_v[pl.ds(off, _LANES)] = i1
        i2_v[pl.ds(off, _LANES)] = i2
        w1_v[pl.ds(off, _LANES)] = m1
        w2_v[pl.ds(off, _LANES)] = m2
        tok = lane + (base + off)
        r1_v[pl.ds(off, _LANES)] = tok
        r2_v[pl.ds(off, _LANES)] = tok + n_tokens

        for e in range(_E):
            plsc.addupdate(pi_v.at[e], p[e])
            c = (jnp.where(i1 == e, 1.0, 0.0)
                 + jnp.where(i2 == e, 1.0, 0.0))
            plsc.addupdate(cnt_v.at[e], c)
        return carry

    lax.fori_loop(0, nb, batch, 0)

    pltpu.sync_copy(i1_v, i1_hbm.at[pl.ds(base, tpw)])
    pltpu.sync_copy(i2_v, i2_hbm.at[pl.ds(base, tpw)])
    pltpu.sync_copy(w1_v, w1_hbm.at[pl.ds(base, tpw)])
    pltpu.sync_copy(w2_v, w2_hbm.at[pl.ds(base, tpw)])
    pltpu.sync_copy(r1_v, r1_hbm.at[pl.ds(base, tpw)])
    pltpu.sync_copy(r2_v, r2_hbm.at[pl.ds(base, tpw)])
    pltpu.sync_copy(pi_v, pi_hbm.at[wid])
    pltpu.sync_copy(cnt_v, cnt_hbm.at[wid])


def _aux_kernel(pi_ref, cnt_ref, aux_ref, *, scale):
    pi = jnp.sum(jnp.sum(pi_ref[...], axis=0), axis=1,
                 keepdims=True)
    cnt = jnp.sum(jnp.sum(cnt_ref[...], axis=0), axis=1,
                  keepdims=True)
    aux_ref[...] = jnp.sum(pi * cnt, axis=(0, 1), keepdims=True) * scale


def kernel(hidden_states, weight):
    bsz, seq_len, h = hidden_states.shape
    n = bsz * seq_len
    x = hidden_states.reshape(n, h)
    blk = 1024
    tpw = n // _NWORK

    logits_t = pl.pallas_call(
        _logits_kernel,
        grid=(n // blk,),
        in_specs=[
            pl.BlockSpec((blk, h), lambda i: (i, 0)),
            pl.BlockSpec((_E, h), lambda i: (0, 0)),
        ],
        out_specs=pl.BlockSpec((_E, blk), lambda i: (0, i)),
        out_shape=jax.ShapeDtypeStruct((_E, n), jnp.float32),
    )(x, weight)

    mesh = plsc.VectorSubcoreMesh(core_axis_name="c", subcore_axis_name="s")
    i1, i2, w1, w2, r1, r2, pi_p, cnt_p = pl.kernel(
        functools.partial(_sc_gate, n_tokens=n),
        out_type=[
            jax.ShapeDtypeStruct((n,), jnp.int32),
            jax.ShapeDtypeStruct((n,), jnp.int32),
            jax.ShapeDtypeStruct((n,), jnp.float32),
            jax.ShapeDtypeStruct((n,), jnp.float32),
            jax.ShapeDtypeStruct((n,), jnp.int32),
            jax.ShapeDtypeStruct((n,), jnp.int32),
            jax.ShapeDtypeStruct((_NWORK, _E, _LANES), jnp.float32),
            jax.ShapeDtypeStruct((_NWORK, _E, _LANES), jnp.float32),
        ],
        mesh=mesh,
        scratch_types=[
            pltpu.VMEM((_E, tpw), jnp.float32),
            pltpu.VMEM((tpw,), jnp.int32),
            pltpu.VMEM((tpw,), jnp.int32),
            pltpu.VMEM((tpw,), jnp.float32),
            pltpu.VMEM((tpw,), jnp.float32),
            pltpu.VMEM((tpw,), jnp.int32),
            pltpu.VMEM((tpw,), jnp.int32),
            pltpu.VMEM((_E, _LANES), jnp.float32),
            pltpu.VMEM((_E, _LANES), jnp.float32),
        ],
    )(logits_t)

    scale = (_E * _ALPHA) / (float(n) * float(n) * _TOP_K)
    aux = pl.pallas_call(
        functools.partial(_aux_kernel, scale=scale),
        out_shape=jax.ShapeDtypeStruct((1, 1), jnp.float32),
    )(pi_p, cnt_p)

    topk_idx = jnp.stack([i1, i2], axis=1)
    topk_weight = jnp.stack([w1, w2], axis=1)
    row_idx = jnp.stack([r1, r2], axis=1)
    return (topk_idx, topk_weight, row_idx, aux[0, 0])

# --- scband reference (transcript-rebuilt; emitter-appended) ---
"""Pipeline reference for scband-mo-egate-70781061038167 (READ-ONLY COPY).

The authoritative reference and input builder live on the scoring server;
editing this copy changes nothing except your own understanding.
"""

import jax, jax.numpy as jnp
import numpy as np

E = 16
TOP_K = 2
ALPHA = 0.01

def setup_inputs(seed: int = 0) -> dict:
    key = jax.random.key(seed)
    k1, k2 = jax.random.split(key)
    hidden_states = jax.random.normal(k1, (4, 4096, 2048), dtype=jnp.float32)
    # kaiming_uniform_(a=sqrt(5)) on [E, gating_dim]: bound = sqrt(6/((1+a^2)*fan_in)) = 1/sqrt(fan_in)
    fan_in = 2048
    bound = 1.0 / np.sqrt(fan_in)
    weight = jax.random.uniform(k2, (E, 2048), minval=-bound, maxval=bound, dtype=jnp.float32)
    return {"hidden_states": hidden_states, "weight": weight}

def reference(hidden_states, weight):
    bsz, seq_len, h = hidden_states.shape
    x = hidden_states.reshape(-1, h)
    logits = x @ weight.T  # [N, E]
    # npu_moe_gating_top_k_softmax: softmax over experts, then top-k
    scores = jax.nn.softmax(logits, axis=-1)
    topk_weight, topk_idx = jax.lax.top_k(scores, TOP_K)
    n = logits.shape[0]
    # row_idx layout from npu op: column-major expanded row indices
    row_idx = jnp.arange(n * TOP_K, dtype=jnp.int32).reshape(TOP_K, n).T
    # norm_topk_prob is False -> no renormalization
    # training aux loss (seq_aux=False branch)
    mask_ce = jax.nn.one_hot(topk_idx.reshape(-1), E, dtype=jnp.float32)
    ce = mask_ce.mean(axis=0)
    Pi = scores.mean(axis=0)
    fi = ce * E
    aux_loss = (Pi * fi).sum() * ALPHA
    return (topk_idx, topk_weight, row_idx, aux_loss)

if __name__ == "__main__":
    import jax
    _d = setup_inputs()
    print(jax.jit(kernel)(*tuple(_d.values())))

</pallas_src>

<mosaic_0001>
#map = affine_map<(d0, d1) -> (0, 0)>
#map1 = affine_map<(d0, d1) -> (0)>
#map2 = affine_map<(d0, d1) -> (0, 0, 0)>
module attributes {stable_mosaic.version = 14 : i64} {
  func.func @_sc_gate(%arg0: i32, %arg1: i32, %arg2: memref<16x16384xf32, #tpu.memory_space<hbm>>, %arg3: memref<16384xi32, #tpu.memory_space<hbm>>, %arg4: memref<16384xi32, #tpu.memory_space<hbm>>, %arg5: memref<16384xf32, #tpu.memory_space<hbm>>, %arg6: memref<16384xf32, #tpu.memory_space<hbm>>, %arg7: memref<16384xi32, #tpu.memory_space<hbm>>, %arg8: memref<16384xi32, #tpu.memory_space<hbm>>, %arg9: memref<32x16x16xf32, #tpu.memory_space<hbm>>, %arg10: memref<32x16x16xf32, #tpu.memory_space<hbm>>, %arg11: memref<16x512xf32, #tpu.memory_space<vmem>>, %arg12: memref<512xi32, #tpu.memory_space<vmem>>, %arg13: memref<512xi32, #tpu.memory_space<vmem>>, %arg14: memref<512xf32, #tpu.memory_space<vmem>>, %arg15: memref<512xf32, #tpu.memory_space<vmem>>, %arg16: memref<512xi32, #tpu.memory_space<vmem>>, %arg17: memref<512xi32, #tpu.memory_space<vmem>>, %arg18: memref<16x16xf32, #tpu.memory_space<vmem>>, %arg19: memref<16x16xf32, #tpu.memory_space<vmem>>) attributes {dimension_semantics = [#tpu.dimension_semantics<core_parallel>, #tpu.dimension_semantics<subcore_parallel>], iteration_bounds = array<i64: 2, 16>, scalar_prefetch = 0 : i64, scratch_operands = 9 : i64, tpu.core_type = #tpu.core_type<sc_vector_subcore>, window_params = [{transform_indices = #map}, {transform_indices = #map1}, {transform_indices = #map1}, {transform_indices = #map1}, {transform_indices = #map1}, {transform_indices = #map1}, {transform_indices = #map1}, {transform_indices = #map2}, {transform_indices = #map2}]} {
    %mul3A = arith.constant 2 : i32
    %mul3A_0 = arith.muli %arg1, %mul3A : i32
    %add3A = arith.addi %mul3A_0, %arg0 : i32
    %mul3A_1 = arith.constant 512 : i32
    %mul3A_2 = arith.muli %add3A, %mul3A_1 : i32
    "tpu.region"() ({
      %run_scoped3A = tpu.sem_alloc : memref<!tpu.dma_semaphore, #tpu.memory_space<semaphore_mem>>
      %dma_start3A = arith.constant 0 : i32
      %dma_start3A_262 = tpu.memref_slice %arg2[%dma_start3A, %mul3A_2] : memref<16x16384xf32, #tpu.memory_space<hbm>> -> memref<16x512xf32, #tpu.memory_space<hbm>>
      %dma_start3A_263 = arith.constant 0 : i32
      %dma_start3A_264 = tpu.memref_slice %arg2[%dma_start3A_263, %mul3A_2] : memref<16x16384xf32, #tpu.memory_space<hbm>> -> memref<16x512xf32, #tpu.memory_space<hbm>>
      tpu.enqueue_dma source(%dma_start3A_264 : memref<16x512xf32, #tpu.memory_space<hbm>>) target(%arg11 : memref<16x512xf32, #tpu.memory_space<vmem>>) target_semaphore(%run_scoped3A : memref<!tpu.dma_semaphore, #tpu.memory_space<semaphore_mem>>)
      %dma_wait3A = arith.constant 0 : i32
      %dma_wait3A_265 = tpu.memref_slice %arg2[%dma_wait3A, %mul3A_2] : memref<16x16384xf32, #tpu.memory_space<hbm>> -> memref<16x512xf32, #tpu.memory_space<hbm>>
      %dma_wait3A_266 = arith.constant 0 : i32
      %dma_wait3A_267 = tpu.memref_slice %arg2[%dma_wait3A_266, %mul3A_2] : memref<16x16384xf32, #tpu.memory_space<hbm>> -> memref<16x512xf32, #tpu.memory_space<hbm>>
      tpu.wait_dma2 semaphore(%run_scoped3A : memref<!tpu.dma_semaphore, #tpu.memory_space<semaphore_mem>>) src(%dma_wait3A_267 : memref<16x512xf32, #tpu.memory_space<hbm>>) dst(%arg11 : memref<16x512xf32, #tpu.memory_space<vmem>>)
      tpu.yield
    }) : () -> ()
    %broadcast_in_dim3A = arith.constant 0.000000e+00 : f32
    %broadcast_in_dim3A_3 = vector.broadcast %broadcast_in_dim3A : f32 to vector<16xf32>
    %swap3A = arith.constant 0 : i32
    %swap3A_4 = arith.index_cast %swap3A : i32 to index
    %swap3A_5 = arith.constant 0 : index
    %swap3A_6 = tpu.vector_load %arg18[%swap3A_4, %swap3A_5] {strides = array<i32>} : memref<16x16xf32, #tpu.memory_space<vmem>>, vector<1x16xf32>,
    %swap3A_7 = vector.shape_cast %swap3A_6 : vector<1x16xf32> to vector<16xf32>
    %swap3A_8 = vector.shape_cast %broadcast_in_dim3A_3 : vector<16xf32> to vector<1x16xf32>
    tpu.vector_store %arg18[%swap3A_4, %swap3A_5], %swap3A_8 {strides = array<i32>} : memref<16x16xf32, #tpu.memory_space<vmem>>, vector<1x16xf32>,
    %broadcast_in_dim3A_9 = arith.constant 0.000000e+00 : f32
    %broadcast_in_dim3A_10 = vector.broadcast %broadcast_in_dim3A_9 : f32 to vector<16xf32>
    %swap3A_11 = arith.constant 0 : i32
    %swap3A_12 = arith.index_cast %swap3A_11 : i32 to index
    %swap3A_13 = arith.constant 0 : index
    %swap3A_14 = tpu.vector_load %arg19[%swap3A_12, %swap3A_13] {strides = array<i32>} : memref<16x16xf32, #tpu.memory_space<vmem>>, vector<1x16xf32>,
    %swap3A_15 = vector.shape_cast %swap3A_14 : vector<1x16xf32> to vector<16xf32>
    %swap3A_16 = vector.shape_cast %broadcast_in_dim3A_10 : vector<16xf32> to vector<1x16xf32>
    tpu.vector_store %arg19[%swap3A_12, %swap3A_13], %swap3A_16 {strides = array<i32>} : memref<16x16xf32, #tpu.memory_space<vmem>>, vector<1x16xf32>,
    %broadcast_in_dim3A_17 = arith.constant 0.000000e+00 : f32
    %broadcast_in_dim3A_18 = vector.broadcast %broadcast_in_dim3A_17 : f32 to vector<16xf32>
    %swap3A_19 = arith.constant 1 : i32
    %swap3A_20 = arith.index_cast %swap3A_19 : i32 to index
    %swap3A_21 = arith.constant 0 : index
    %swap3A_22 = tpu.vector_load %arg18[%swap3A_20, %swap3A_21] {strides = array<i32>} : memref<16x16xf32, #tpu.memory_space<vmem>>, vector<1x16xf32>,
    %swap3A_23 = vector.shape_cast %swap3A_22 : vector<1x16xf32> to vector<16xf32>
    %swap3A_24 = vector.shape_cast %broadcast_in_dim3A_18 : vector<16xf32> to vector<1x16xf32>
    tpu.vector_store %arg18[%swap3A_20, %swap3A_21], %swap3A_24 {strides = array<i32>} : memref<16x16xf32, #tpu.memory_space<vmem>>, vector<1x16xf32>,
    %broadcast_in_dim3A_25 = arith.constant 0.000000e+00 : f32
    %broadcast_in_dim3A_26 = vector.broadcast %broadcast_in_dim3A_25 : f32 to vector<16xf32>
    %swap3A_27 = arith.constant 1 : i32
    %swap3A_28 = arith.index_cast %swap3A_27 : i32 to index
    %swap3A_29 = arith.constant 0 : index
    %swap3A_30 = tpu.vector_load %arg19[%swap3A_28, %swap3A_29] {strides = array<i32>} : memref<16x16xf32, #tpu.memory_space<vmem>>, vector<1x16xf32>,
    %swap3A_31 = vector.shape_cast %swap3A_30 : vector<1x16xf32> to vector<16xf32>
    %swap3A_32 = vector.shape_cast %broadcast_in_dim3A_26 : vector<16xf32> to vector<1x16xf32>
    tpu.vector_store %arg19[%swap3A_28, %swap3A_29], %swap3A_32 {strides = array<i32>} : memref<16x16xf32, #tpu.memory_space<vmem>>, vector<1x16xf32>,
    %broadcast_in_dim3A_33 = arith.constant 0.000000e+00 : f32
    %broadcast_in_dim3A_34 = vector.broadcast %broadcast_in_dim3A_33 : f32 to vector<16xf32>
    %swap3A_35 = arith.constant 2 : i32
    %swap3A_36 = arith.index_cast %swap3A_35 : i32 to index
    %swap3A_37 = arith.constant 0 : index
    %swap3A_38 = tpu.vector_load %arg18[%swap3A_36, %swap3A_37] {strides = array<i32>} : memref<16x16xf32, #tpu.memory_space<vmem>>, vector<1x16xf32>,
    %swap3A_39 = vector.shape_cast %swap3A_38 : vector<1x16xf32> to vector<16xf32>
    %swap3A_40 = vector.shape_cast %broadcast_in_dim3A_34 : vector<16xf32> to vector<1x16xf32>
    tpu.vector_store %arg18[%swap3A_36, %swap3A_37], %swap3A_40 {strides = array<i32>} : memref<16x16xf32, #tpu.memory_space<vmem>>, vector<1x16xf32>,
    %broadcast_in_dim3A_41 = arith.constant 0.000000e+00 : f32
    %broadcast_in_dim3A_42 = vector.broadcast %broadcast_in_dim3A_41 : f32 to vector<16xf32>
    %swap3A_43 = arith.constant 2 : i32
    %swap3A_44 = arith.index_cast %swap3A_43 : i32 to index
    %swap3A_45 = arith.constant 0 : index
    %swap3A_46 = tpu.vector_load %arg19[%swap3A_44, %swap3A_45] {strides = array<i32>} : memref<16x16xf32, #tpu.memory_space<vmem>>, vector<1x16xf32>,
    %swap3A_47 = vector.shape_cast %swap3A_46 : vector<1x16xf32> to vector<16xf32>
    %swap3A_48 = vector.shape_cast %broadcast_in_dim3A_42 : vector<16xf32> to vector<1x16xf32>
    tpu.vector_store %arg19[%swap3A_44, %swap3A_45], %swap3A_48 {strides = array<i32>} : memref<16x16xf32, #tpu.memory_space<vmem>>, vector<1x16xf32>,
    %broadcast_in_dim3A_49 = arith.constant 0.000000e+00 : f32
    %broadcast_in_dim3A_50 = vector.broadcast %broadcast_in_dim3A_49 : f32 to vector<16xf32>
    %swap3A_51 = arith.constant 3 : i32
    %swap3A_52 = arith.index_cast %swap3A_51 : i32 to index
    %swap3A_53 = arith.constant 0 : index
    %swap3A_54 = tpu.vector_load %arg18[%swap3A_52, %swap3A_53] {strides = array<i32>} : memref<16x16xf32, #tpu.memory_space<vmem>>, vector<1x16xf32>,
    %swap3A_55 = vector.shape_cast %swap3A_54 : vector<1x16xf32> to vector<16xf32>
    %swap3A_56 = vector.shape_cast %broadcast_in_dim3A_50 : vector<16xf32> to vector<1x16xf32>
    tpu.vector_store %arg18[%swap3A_52, %swap3A_53], %swap3A_56 {strides = array<i32>} : memref<16x16xf32, #tpu.memory_space<vmem>>, vector<1x16xf32>,
    %broadcast_in_dim3A_57 = arith.constant 0.000000e+00 : f32
    %broadcast_in_dim3A_58 = vector.broadcast %broadcast_in_dim3A_57 : f32 to vector<16xf32>
    %swap3A_59 = arith.constant 3 : i32
    %swap3A_60 = arith.index_cast %swap3A_59 : i32 to index
    %swap3A_61 = arith.constant 0 : index
    %swap3A_62 = tpu.vector_load %arg19[%swap3A_60, %swap3A_61] {strides = array<i32>} : memref<16x16xf32, #tpu.memory_space<vmem>>, vector<1x16xf32>,
    %swap3A_63 = vector.shape_cast %swap3A_62 : vector<1x16xf32> to vector<16xf32>
    %swap3A_64 = vector.shape_cast %broadcast_in_dim3A_58 : vector<16xf32> to vector<1x16xf32>
    tpu.vector_store %arg19[%swap3A_60, %swap3A_61], %swap3A_64 {strides = array<i32>} : memref<16x16xf32, #tpu.memory_space<vmem>>, vector<1x16xf32>,
    %broadcast_in_dim3A_65 = arith.constant 0.000000e+00 : f32
    %broadcast_in_dim3A_66 = vector.broadcast %broadcast_in_dim3A_65 : f32 to vector<16xf32>
    %swap3A_67 = arith.constant 4 : i32
    %swap3A_68 = arith.index_cast %swap3A_67 : i32 to index
    %swap3A_69 = arith.constant 0 : index
    %swap3A_70 = tpu.vector_load %arg18[%swap3A_68, %swap3A_69] {strides = array<i32>} : memref<16x16xf32, #tpu.memory_space<vmem>>, vector<1x16xf32>,
    %swap3A_71 = vector.shape_cast %swap3A_70 : vector<1x16xf32> to vector<16xf32>
    %swap3A_72 = vector.shape_cast %broadcast_in_dim3A_66 : vector<16xf32> to vector<1x16xf32>
    tpu.vector_store %arg18[%swap3A_68, %swap3A_69], %swap3A_72 {strides = array<i32>} : memref<16x16xf32, #tpu.memory_space<vmem>>, vector<1x16xf32>,
    %broadcast_in_dim3A_73 = arith.constant 0.000000e+00 : f32
    %broadcast_in_dim3A_74 = vector.broadcast %broadcast_in_dim3A_73 : f32 to vector<16xf32>
    %swap3A_75 = arith.constant 4 : i32
    %swap3A_76 = arith.index_cast %swap3A_75 : i32 to index
    %swap3A_77 = arith.constant 0 : index
    %swap3A_78 = tpu.vector_load %arg19[%swap3A_76, %swap3A_77] {strides = array<i32>} : memref<16x16xf32, #tpu.memory_space<vmem>>, vector<1x16xf32>,
    %swap3A_79 = vector.shape_cast %swap3A_78 : vector<1x16xf32> to vector<16xf32>
    %swap3A_80 = vector.shape_cast %broadcast_in_dim3A_74 : vector<16xf32> to vector<1x16xf32>
    tpu.vector_store %arg19[%swap3A_76, %swap3A_77], %swap3A_80 {strides = array<i32>} : memref<16x16xf32, #tpu.memory_space<vmem>>, vector<1x16xf32>,
    %broadcast_in_dim3A_81 = arith.constant 0.000000e+00 : f32
    %broadcast_in_dim3A_82 = vector.broadcast %broadcast_in_dim3A_81 : f32 to vector<16xf32>
    %swap3A_83 = arith.constant 5 : i32
    %swap3A_84 = arith.index_cast %swap3A_83 : i32 to index
    %swap3A_85 = arith.constant 0 : index
    %swap3A_86 = tpu.vector_load %arg18[%swap3A_84, %swap3A_85] {strides = array<i32>} : memref<16x16xf32, #tpu.memory_space<vmem>>, vector<1x16xf32>,
    %swap3A_87 = vector.shape_cast %swap3A_86 : vector<1x16xf32> to vector<16xf32>
    %swap3A_88 = vector.shape_cast %broadcast_in_dim3A_82 : vector<16xf32> to vector<1x16xf32>
    tpu.vector_store %arg18[%swap3A_84, %swap3A_85], %swap3A_88 {strides = array<i32>} : memref<16x16xf32, #tpu.memory_space<vmem>>, vector<1x16xf32>,
    %broadcast_in_dim3A_89 = arith.constant 0.000000e+00 : f32
    %broadcast_in_dim3A_90 = vector.broadcast %broadcast_in_dim3A_89 : f32 to vector<16xf32>
    %swap3A_91 = arith.constant 5 : i32
    %swap3A_92 = arith.index_cast %swap3A_91 : i32 to index
    %swap3A_93 = arith.constant 0 : index
    %swap3A_94 = tpu.vector_load %arg19[%swap3A_92, %swap3A_93] {strides = array<i32>} : memref<16x16xf32, #tpu.memory_space<vmem>>, vector<1x16xf32>,
    %swap3A_95 = vector.shape_cast %swap3A_94 : vector<1x16xf32> to vector<16xf32>
    %swap3A_96 = vector.shape_cast %broadcast_in_dim3A_90 : vector<16xf32> to vector<1x16xf32>
    tpu.vector_store %arg19[%swap3A_92, %swap3A_93], %swap3A_96 {strides = array<i32>} : memref<16x16xf32, #tpu.memory_space<vmem>>, vector<1x16xf32>,
    %broadcast_in_dim3A_97 = arith.constant 0.000000e+00 : f32
    %broadcast_in_dim3A_98 = vector.broadcast %broadcast_in_dim3A_97 : f32 to vector<16xf32>
    %swap3A_99 = arith.constant 6 : i32
    %swap3A_100 = arith.index_cast %swap3A_99 : i32 to index
    %swap3A_101 = arith.constant 0 : index
    %swap3A_102 = tpu.vector_load %arg18[%swap3A_100, %swap3A_101] {strides = array<i32>} : memref<16x16xf32, #tpu.memory_space<vmem>>, vector<1x16xf32>,
    %swap3A_103 = vector.shape_cast %swap3A_102 : vector<1x16xf32> to vector<16xf32>
    %swap3A_104 = vector.shape_cast %broadcast_in_dim3A_98 : vector<16xf32> to vector<1x16xf32>
    tpu.vector_store %arg18[%swap3A_100, %swap3A_101], %swap3A_104 {strides = array<i32>} : memref<16x16xf32, #tpu.memory_space<vmem>>, vector<1x16xf32>,
    %broadcast_in_dim3A_105 = arith.constant 0.000000e+00 : f32
    %broadcast_in_dim3A_106 = vector.broadcast %broadcast_in_dim3A_105 : f32 to vector<16xf32>
    %swap3A_107 = arith.constant 6 : i32
    %swap3A_108 = arith.index_cast %swap3A_107 : i32 to index
    %swap3A_109 = arith.constant 0 : index
    %swap3A_110 = tpu.vector_load %arg19[%swap3A_108, %swap3A_109] {strides = array<i32>} : memref<16x16xf32, #tpu.memory_space<vmem>>, vector<1x16xf32>,
    %swap3A_111 = vector.shape_cast %swap3A_110 : vector<1x16xf32> to vector<16xf32>
    %swap3A_112 = vector.shape_cast %broadcast_in_dim3A_106 : vector<16xf32> to vector<1x16xf32>
    tpu.vector_store %arg19[%swap3A_108, %swap3A_109], %swap3A_112 {strides = array<i32>} : memref<16x16xf32, #tpu.memory_space<vmem>>, vector<1x16xf32>,
    %broadcast_in_dim3A_113 = arith.constant 0.000000e+00 : f32
    %broadcast_in_dim3A_114 = vector.broadcast %broadcast_in_dim3A_113 : f32 to vector<16xf32>
    %swap3A_115 = arith.constant 7 : i32
    %swap3A_116 = arith.index_cast %swap3A_115 : i32 to index
    %swap3A_117 = arith.constant 0 : index
    %swap3A_118 = tpu.vector_load %arg18[%swap3A_116, %swap3A_117] {strides = array<i32>} : memref<16x16xf32, #tpu.memory_space<vmem>>, vector<1x16xf32>,
    %swap3A_119 = vector.shape_cast %swap3A_118 : vector<1x16xf32> to vector<16xf32>
    %swap3A_120 = vector.shape_cast %broadcast_in_dim3A_114 : vector<16xf32> to vector<1x16xf32>
    tpu.vector_store %arg18[%swap3A_116, %swap3A_117], %swap3A_120 {strides = array<i32>} : memref<16x16xf32, #tpu.memory_space<vmem>>, vector<1x16xf32>,
    %broadcast_in_dim3A_121 = arith.constant 0.000000e+00 : f32
    %broadcast_in_dim3A_122 = vector.broadcast %broadcast_in_dim3A_121 : f32 to vector<16xf32>
    %swap3A_123 = arith.constant 7 : i32
    %swap3A_124 = arith.index_cast %swap3A_123 : i32 to index
    %swap3A_125 = arith.constant 0 : index
    %swap3A_126 = tpu.vector_load %arg19[%swap3A_124, %swap3A_125] {strides = array<i32>} : memref<16x16xf32, #tpu.memory_space<vmem>>, vector<1x16xf32>,
    %swap3A_127 = vector.shape_cast %swap3A_126 : vector<1x16xf32> to vector<16xf32>
    %swap3A_128 = vector.shape_cast %broadcast_in_dim3A_122 : vector<16xf32> to vector<1x16xf32>
    tpu.vector_store %arg19[%swap3A_124, %swap3A_125], %swap3A_128 {strides = array<i32>} : memref<16x16xf32, #tpu.memory_space<vmem>>, vector<1x16xf32>,
    %broadcast_in_dim3A_129 = arith.constant 0.000000e+00 : f32
    %broadcast_in_dim3A_130 = vector.broadcast %broadcast_in_dim3A_129 : f32 to vector<16xf32>
    %swap3A_131 = arith.constant 8 : i32
    %swap3A_132 = arith.index_cast %swap3A_131 : i32 to index
    %swap3A_133 = arith.constant 0 : index
    %swap3A_134 = tpu.vector_load %arg18[%swap3A_132, %swap3A_133] {strides = array<i32>} : memref<16x16xf32, #tpu.memory_space<vmem>>, vector<1x16xf32>,
    %swap3A_135 = vector.shape_cast %swap3A_134 : vector<1x16xf32> to vector<16xf32>
    %swap3A_136 = vector.shape_cast %broadcast_in_dim3A_130 : vector<16xf32> to vector<1x16xf32>
    tpu.vector_store %arg18[%swap3A_132, %swap3A_133], %swap3A_136 {strides = array<i32>} : memref<16x16xf32, #tpu.memory_space<vmem>>, vector<1x16xf32>,
    %broadcast_in_dim3A_137 = arith.constant 0.000000e+00 : f32
    %broadcast_in_dim3A_138 = vector.broadcast %broadcast_in_dim3A_137 : f32 to vector<16xf32>
    %swap3A_139 = arith.constant 8 : i32
    %swap3A_140 = arith.index_cast %swap3A_139 : i32 to index
    %swap3A_141 = arith.constant 0 : index
    %swap3A_142 = tpu.vector_load %arg19[%swap3A_140, %swap3A_141] {strides = array<i32>} : memref<16x16xf32, #tpu.memory_space<vmem>>, vector<1x16xf32>,
    %swap3A_143 = vector.shape_cast %swap3A_142 : vector<1x16xf32> to vector<16xf32>
    %swap3A_144 = vector.shape_cast %broadcast_in_dim3A_138 : vector<16xf32> to vector<1x16xf32>
    tpu.vector_store %arg19[%swap3A_140, %swap3A_141], %swap3A_144 {strides = array<i32>} : memref<16x16xf32, #tpu.memory_space<vmem>>, vector<1x16xf32>,
    %broadcast_in_dim3A_145 = arith.constant 0.000000e+00 : f32
    %broadcast_in_dim3A_146 = vector.broadcast %broadcast_in_dim3A_145 : f32 to vector<16xf32>
    %swap3A_147 = arith.constant 9 : i32
    %swap3A_148 = arith.index_cast %swap3A_147 : i32 to index
    %swap3A_149 = arith.constant 0 : index
    %swap3A_150 = tpu.vector_load %arg18[%swap3A_148, %swap3A_149] {strides = array<i32>} : memref<16x16xf32, #tpu.memory_space<vmem>>, vector<1x16xf32>,
    %swap3A_151 = vector.shape_cast %swap3A_150 : vector<1x16xf32> to vector<16xf32>
    %swap3A_152 = vector.shape_cast %broadcast_in_dim3A_146 : vector<16xf32> to vector<1x16xf32>
    tpu.vector_store %arg18[%swap3A_148, %swap3A_149], %swap3A_152 {strides = array<i32>} : memref<16x16xf32, #tpu.memory_space<vmem>>, vector<1x16xf32>,
    %broadcast_in_dim3A_153 = arith.constant 0.000000e+00 : f32
    %broadcast_in_dim3A_154 = vector.broadcast %broadcast_in_dim3A_153 : f32 to vector<16xf32>
    %swap3A_155 = arith.constant 9 : i32
    %swap3A_156 = arith.index_cast %swap3A_155 : i32 to index
    %swap3A_157 = arith.constant 0 : index
    %swap3A_158 = tpu.vector_load %arg19[%swap3A_156, %swap3A_157] {strides = array<i32>} : memref<16x16xf32, #tpu.memory_space<vmem>>, vector<1x16xf32>,
    %swap3A_159 = vector.shape_cast %swap3A_158 : vector<1x16xf32> to vector<16xf32>
    %swap3A_160 = vector.shape_cast %broadcast_in_dim3A_154 : vector<16xf32> to vector<1x16xf32>
    tpu.vector_store %arg19[%swap3A_156, %swap3A_157], %swap3A_160 {strides = array<i32>} : memref<16x16xf32, #tpu.memory_space<vmem>>, vector<1x16xf32>,
    %broadcast_in_dim3A_161 = arith.constant 0.000000e+00 : f32
    %broadcast_in_dim3A_162 = vector.broadcast %broadcast_in_dim3A_161 : f32 to vector<16xf32>
    %swap3A_163 = arith.constant 10 : i32
    %swap3A_164 = arith.index_cast %swap3A_163 : i32 to index
    %swap3A_165 = arith.constant 0 : index
    %swap3A_166 = tpu.vector_load %arg18[%swap3A_164, %swap3A_165] {strides = array<i32>} : memref<16x16xf32, #tpu.memory_space<vmem>>, vector<1x16xf32>,
    %swap3A_167 = vector.shape_cast %swap3A_166 : vector<1x16xf32> to vector<16xf32>
    %swap3A_168 = vector.shape_cast %broadcast_in_dim3A_162 : vector<16xf32> to vector<1x16xf32>
    tpu.vector_store %arg18[%swap3A_164, %swap3A_165], %swap3A_168 {strides = array<i32>} : memref<16x16xf32, #tpu.memory_space<vmem>>, vector<1x16xf32>,
    %broadcast_in_dim3A_169 = arith.constant 0.000000e+00 : f32
    %broadcast_in_dim3A_170 = vector.broadcast %broadcast_in_dim3A_169 : f32 to vector<16xf32>
    %swap3A_171 = arith.constant 10 : i32
    %swap3A_172 = arith.index_cast %swap3A_171 : i32 to index
    %swap3A_173 = arith.constant 0 : index
    %swap3A_174 = tpu.vector_load %arg19[%swap3A_172, %swap3A_173] {strides = array<i32>} : memref<16x16xf32, #tpu.memory_space<vmem>>, vector<1x16xf32>,
    %swap3A_175 = vector.shape_cast %swap3A_174 : vector<1x16xf32> to vector<16xf32>
    %swap3A_176 = vector.shape_cast %broadcast_in_dim3A_170 : vector<16xf32> to vector<1x16xf32>
    tpu.vector_store %arg19[%swap3A_172, %swap3A_173], %swap3A_176 {strides = array<i32>} : memref<16x16xf32, #tpu.memory_space<vmem>>, vector<1x16xf32>,
    %broadcast_in_dim3A_177 = arith.constant 0.000000e+00 : f32
    %broadcast_in_dim3A_178 = vector.broadcast %broadcast_in_dim3A_177 : f32 to vector<16xf32>
    %swap3A_179 = arith.constant 11 : i32
    %swap3A_180 = arith.index_cast %swap3A_179 : i32 to index
    %swap3A_181 = arith.constant 0 : index
    %swap3A_182 = tpu.vector_load %arg18[%swap3A_180, %swap3A_181] {strides = array<i32>} : memref<16x16xf32, #tpu.memory_space<vmem>>, vector<1x16xf32>,
    %swap3A_183 = vector.shape_cast %swap3A_182 : vector<1x16xf32> to vector<16xf32>
    %swap3A_184 = vector.shape_cast %broadcast_in_dim3A_178 : vector<16xf32> to vector<1x16xf32>
    tpu.vector_store %arg18[%swap3A_180, %swap3A_181], %swap3A_184 {strides = array<i32>} : memref<16x16xf32, #tpu.memory_space<vmem>>, vector<1x16xf32>,
    %broadcast_in_dim3A_185 = arith.constant 0.000000e+00 : f32
    %broadcast_in_dim3A_186 = vector.broadcast %broadcast_in_dim3A_185 : f32 to vector<16xf32>
    %swap3A_187 = arith.constant 11 : i32
    %swap3A_188 = arith.index_cast %swap3A_187 : i32 to index
    %swap3A_189 = arith.constant 0 : index
    %swap3A_190 = tpu.vector_load %arg19[%swap3A_188, %swap3A_189] {strides = array<i32>} : memref<16x16xf32, #tpu.memory_space<vmem>>, vector<1x16xf32>,
    %swap3A_191 = vector.shape_cast %swap3A_190 : vector<1x16xf32> to vector<16xf32>
    %swap3A_192 = vector.shape_cast %broadcast_in_dim3A_186 : vector<16xf32> to vector<1x16xf32>
    tpu.vector_store %arg19[%swap3A_188, %swap3A_189], %swap3A_192 {strides = array<i32>} : memref<16x16xf32, #tpu.memory_space<vmem>>, vector<1x16xf32>,
    %broadcast_in_dim3A_193 = arith.constant 0.000000e+00 : f32
    %broadcast_in_dim3A_194 = vector.broadcast %broadcast_in_dim3A_193 : f32 to vector<16xf32>
    %swap3A_195 = arith.constant 12 : i32
    %swap3A_196 = arith.index_cast %swap3A_195 : i32 to index
    %swap3A_197 = arith.constant 0 : index
    %swap3A_198 = tpu.vector_load %arg18[%swap3A_196, %swap3A_197] {strides = array<i32>} : memref<16x16xf32, #tpu.memory_space<vmem>>, vector<1x16xf32>,
    %swap3A_199 = vector.shape_cast %swap3A_198 : vector<1x16xf32> to vector<16xf32>
    %swap3A_200 = vector.shape_cast %broadcast_in_dim3A_194 : vector<16xf32> to vector<1x16xf32>
    tpu.vector_store %arg18[%swap3A_196, %swap3A_197], %swap3A_200 {strides = array<i32>} : memref<16x16xf32, #tpu.memory_space<vmem>>, vector<1x16xf32>,
    %broadcast_in_dim3A_201 = arith.constant 0.000000e+00 : f32
    %broadcast_in_dim3A_202 = vector.broadcast %broadcast_in_dim3A_201 : f32 to vector<16xf32>
    %swap3A_203 = arith.constant 12 : i32
    %swap3A_204 = arith.index_cast %swap3A_203 : i32 to index
    %swap3A_205 = arith.constant 0 : index
    %swap3A_206 = tpu.vector_load %arg19[%swap3A_204, %swap3A_205] {strides = array<i32>} : memref<16x16xf32, #tpu.memory_space<vmem>>, vector<1x16xf32>,
    %swap3A_207 = vector.shape_cast %swap3A_206 : vector<1x16xf32> to vector<16xf32>
    %swap3A_208 = vector.shape_cast %broadcast_in_dim3A_202 : vector<16xf32> to vector<1x16xf32>
    tpu.vector_store %arg19[%swap3A_204, %swap3A_205], %swap3A_208 {strides = array<i32>} : memref<16x16xf32, #tpu.memory_space<vmem>>, vector<1x16xf32>,
    %broadcast_in_dim3A_209 = arith.constant 0.000000e+00 : f32
    %broadcast_in_dim3A_210 = vector.broadcast %broadcast_in_dim3A_209 : f32 to vector<16xf32>
    %swap3A_211 = arith.constant 13 : i32
    %swap3A_212 = arith.index_cast %swap3A_211 : i32 to index
    %swap3A_213 = arith.constant 0 : index
    %swap3A_214 = tpu.vector_load %arg18[%swap3A_212, %swap3A_213] {strides = array<i32>} : memref<16x16xf32, #tpu.memory_space<vmem>>, vector<1x16xf32>,
    %swap3A_215 = vector.shape_cast %swap3A_214 : vector<1x16xf32> to vector<16xf32>
    %swap3A_216 = vector.shape_cast %broadcast_in_dim3A_210 : vector<16xf32> to vector<1x16xf32>
    tpu.vector_store %arg18[%swap3A_212, %swap3A_213], %swap3A_216 {strides = array<i32>} : memref<16x16xf32, #tpu.memory_space<vmem>>, vector<1x16xf32>,
    %broadcast_in_dim3A_217 = arith.constant 0.000000e+00 : f32
    %broadcast_in_dim3A_218 = vector.broadcast %broadcast_in_dim3A_217 : f32 to vector<16xf32>
    %swap3A_219 = arith.constant 13 : i32
    %swap3A_220 = arith.index_cast %swap3A_219 : i32 to index
    %swap3A_221 = arith.constant 0 : index
    %swap3A_222 = tpu.vector_load %arg19[%swap3A_220, %swap3A_221] {strides = array<i32>} : memref<16x16xf32, #tpu.memory_space<vmem>>, vector<1x16xf32>,
    %swap3A_223 = vector.shape_cast %swap3A_222 : vector<1x16xf32> to vector<16xf32>
    %swap3A_224 = vector.shape_cast %broadcast_in_dim3A_218 : vector<16xf32> to vector<1x16xf32>
    tpu.vector_store %arg19[%swap3A_220, %swap3A_221], %swap3A_224 {strides = array<i32>} : memref<16x16xf32, #tpu.memory_space<vmem>>, vector<1x16xf32>,
    %broadcast_in_dim3A_225 = arith.constant 0.000000e+00 : f32
    %broadcast_in_dim3A_226 = vector.broadcast %broadcast_in_dim3A_225 : f32 to vector<16xf32>
    %swap3A_227 = arith.constant 14 : i32
    %swap3A_228 = arith.index_cast %swap3A_227 : i32 to index
    %swap3A_229 = arith.constant 0 : index
    %swap3A_230 = tpu.vector_load %arg18[%swap3A_228, %swap3A_229] {strides = array<i32>} : memref<16x16xf32, #tpu.memory_space<vmem>>, vector<1x16xf32>,
    %swap3A_231 = vector.shape_cast %swap3A_230 : vector<1x16xf32> to vector<16xf32>
    %swap3A_232 = vector.shape_cast %broadcast_in_dim3A_226 : vector<16xf32> to vector<1x16xf32>
    tpu.vector_store %arg18[%swap3A_228, %swap3A_229], %swap3A_232 {strides = array<i32>} : memref<16x16xf32, #tpu.memory_space<vmem>>, vector<1x16xf32>,
    %broadcast_in_dim3A_233 = arith.constant 0.000000e+00 : f32
    %broadcast_in_dim3A_234 = vector.broadcast %broadcast_in_dim3A_233 : f32 to vector<16xf32>
    %swap3A_235 = arith.constant 14 : i32
    %swap3A_236 = arith.index_cast %swap3A_235 : i32 to index
    %swap3A_237 = arith.constant 0 : index
    %swap3A_238 = tpu.vector_load %arg19[%swap3A_236, %swap3A_237] {strides = array<i32>} : memref<16x16xf32, #tpu.memory_space<vmem>>, vector<1x16xf32>,
    %swap3A_239 = vector.shape_cast %swap3A_238 : vector<1x16xf32> to vector<16xf32>
    %swap3A_240 = vector.shape_cast %broadcast_in_dim3A_234 : vector<16xf32> to vector<1x16xf32>
    tpu.vector_store %arg19[%swap3A_236, %swap3A_237], %swap3A_240 {strides = array<i32>} : memref<16x16xf32, #tpu.memory_space<vmem>>, vector<1x16xf32>,
    %broadcast_in_dim3A_241 = arith.constant 0.000000e+00 : f32
    %broadcast_in_dim3A_242 = vector.broadcast %broadcast_in_dim3A_241 : f32 to vector<16xf32>
    %swap3A_243 = arith.constant 15 : i32
    %swap3A_244 = arith.index_cast %swap3A_243 : i32 to index
    %swap3A_245 = arith.constant 0 : index
    %swap3A_246 = tpu.vector_load %arg18[%swap3A_244, %swap3A_245] {strides = array<i32>} : memref<16x16xf32, #tpu.memory_space<vmem>>, vector<1x16xf32>,
    %swap3A_247 = vector.shape_cast %swap3A_246 : vector<1x16xf32> to vector<16xf32>
    %swap3A_248 = vector.shape_cast %broadcast_in_dim3A_242 : vector<16xf32> to vector<1x16xf32>
    tpu.vector_store %arg18[%swap3A_244, %swap3A_245], %swap3A_248 {strides = array<i32>} : memref<16x16xf32, #tpu.memory_space<vmem>>, vector<1x16xf32>,
    %broadcast_in_dim3A_249 = arith.constant 0.000000e+00 : f32
    %broadcast_in_dim3A_250 = vector.broadcast %broadcast_in_dim3A_249 : f32 to vector<16xf32>
    %swap3A_251 = arith.constant 15 : i32
    %swap3A_252 = arith.index_cast %swap3A_251 : i32 to index
    %swap3A_253 = arith.constant 0 : index
    %swap3A_254 = tpu.vector_load %arg19[%swap3A_252, %swap3A_253] {strides = array<i32>} : memref<16x16xf32, #tpu.memory_space<vmem>>, vector<1x16xf32>,
    %swap3A_255 = vector.shape_cast %swap3A_254 : vector<1x16xf32> to vector<16xf32>
    %swap3A_256 = vector.shape_cast %broadcast_in_dim3A_250 : vector<16xf32> to vector<1x16xf32>
    tpu.vector_store %arg19[%swap3A_252, %swap3A_253], %swap3A_256 {strides = array<i32>} : memref<16x16xf32, #tpu.memory_space<vmem>>, vector<1x16xf32>,
    %iota3A = tpu.iota {dimensions = array<i32: 0>} : vector<16xi32>
    %scan3A = arith.constant 0 : i32
    %scan3A_257 = arith.constant 0 : i32
    %scan3A_258 = arith.constant 32 : i32
    %scan3A_259 = arith.addi %scan3A_257, %scan3A_258 : i32
    %scan3A_260 = arith.constant 1 : i32
    scf.for %scan3A_262 = %scan3A_257 to %scan3A_259 step %scan3A_260  : i32 {
      %mul3A_263 = arith.constant 16 : i32
      %mul3A_264 = arith.muli %scan3A_262, %mul3A_263 : i32
      %get3A = arith.constant 0 : i32
      %get3A_265 = arith.index_cast %get3A : i32 to index
      %get3A_266 = arith.index_cast %mul3A_264 : i32 to index
      %get3A_267 = tpu.vector_load %arg11[%get3A_265, %get3A_266] {strides = array<i32>} : memref<16x512xf32, #tpu.memory_space<vmem>>, vector<1x16xf32>,
      %get3A_268 = vector.shape_cast %get3A_267 : vector<1x16xf32> to vector<16xf32>
      %get3A_269 = arith.constant 1 : i32
      %get3A_270 = arith.index_cast %get3A_269 : i32 to index
      %get3A_271 = arith.index_cast %mul3A_264 : i32 to index
      %get3A_272 = tpu.vector_load %arg11[%get3A_270, %get3A_271] {strides = array<i32>} : memref<16x512xf32, #tpu.memory_space<vmem>>, vector<1x16xf32>,
      %get3A_273 = vector.shape_cast %get3A_272 : vector<1x16xf32> to vector<16xf32>
      %get3A_274 = arith.constant 2 : i32
      %get3A_275 = arith.index_cast %get3A_274 : i32 to index
      %get3A_276 = arith.index_cast %mul3A_264 : i32 to index
      %get3A_277 = tpu.vector_load %arg11[%get3A_275, %get3A_276] {strides = array<i32>} : memref<16x512xf32, #tpu.memory_space<vmem>>, vector<1x16xf32>,
      %get3A_278 = vector.shape_cast %get3A_277 : vector<1x16xf32> to vector<16xf32>
      %get3A_279 = arith.constant 3 : i32
      %get3A_280 = arith.index_cast %get3A_279 : i32 to index
      %get3A_281 = arith.index_cast %mul3A_264 : i32 to index
      %get3A_282 = tpu.vector_load %arg11[%get3A_280, %get3A_281] {strides = array<i32>} : memref<16x512xf32, #tpu.memory_space<vmem>>, vector<1x16xf32>,
      %get3A_283 = vector.shape_cast %get3A_282 : vector<1x16xf32> to vector<16xf32>
      %get3A_284 = arith.constant 4 : i32
      %get3A_285 = arith.index_cast %get3A_284 : i32 to index
      %get3A_286 = arith.index_cast %mul3A_264 : i32 to index
      %get3A_287 = tpu.vector_load %arg11[%get3A_285, %get3A_286] {strides = array<i32>} : memref<16x512xf32, #tpu.memory_space<vmem>>, vector<1x16xf32>,
      %get3A_288 = vector.shape_cast %get3A_287 : vector<1x16xf32> to vector<16xf32>
      %get3A_289 = arith.constant 5 : i32
      %get3A_290 = arith.index_cast %get3A_289 : i32 to index
      %get3A_291 = arith.index_cast %mul3A_264 : i32 to index
      %get3A_292 = tpu.vector_load %arg11[%get3A_290, %get3A_291] {strides = array<i32>} : memref<16x512xf32, #tpu.memory_space<vmem>>, vector<1x16xf32>,
      %get3A_293 = vector.shape_cast %get3A_292 : vector<1x16xf32> to vector<16xf32>
      %get3A_294 = arith.constant 6 : i32
      %get3A_295 = arith.index_cast %get3A_294 : i32 to index
      %get3A_296 = arith.index_cast %mul3A_264 : i32 to index
      %get3A_297 = tpu.vector_load %arg11[%get3A_295, %get3A_296] {strides = array<i32>} : memref<16x512xf32, #tpu.memory_space<vmem>>, vector<1x16xf32>,
      %get3A_298 = vector.shape_cast %get3A_297 : vector<1x16xf32> to vector<16xf32>
      %get3A_299 = arith.constant 7 : i32
      %get3A_300 = arith.index_cast %get3A_299 : i32 to index
      %get3A_301 = arith.index_cast %mul3A_264 : i32 to index
      %get3A_302 = tpu.vector_load %arg11[%get3A_300, %get3A_301] {strides = array<i32>} : memref<16x512xf32, #tpu.memory_space<vmem>>, vector<1x16xf32>,
      %get3A_303 = vector.shape_cast %get3A_302 : vector<1x16xf32> to vector<16xf32>
      %get3A_304 = arith.constant 8 : i32
      %get3A_305 = arith.index_cast %get3A_304 : i32 to index
      %get3A_306 = arith.index_cast %mul3A_264 : i32 to index
      %get3A_307 = tpu.vector_load %arg11[%get3A_305, %get3A_306] {strides = array<i32>} : memref<16x512xf32, #tpu.memory_space<vmem>>, vector<1x16xf32>,
      %get3A_308 = vector.shape_cast %get3A_307 : vector<1x16xf32> to vector<16xf32>
      %get3A_309 = arith.constant 9 : i32
      %get3A_310 = arith.index_cast %get3A_309 : i32 to index
      %get3A_311 = arith.index_cast %mul3A_264 : i32 to index
      %get3A_312 = tpu.vector_load %arg11[%get3A_310, %get3A_311] {strides = array<i32>} : memref<16x512xf32, #tpu.memory_space<vmem>>, vector<1x16xf32>,
      %get3A_313 = vector.shape_cast %get3A_312 : vector<1x16xf32> to vector<16xf32>
      %get3A_314 = arith.constant 10 : i32
      %get3A_315 = arith.index_cast %get3A_314 : i32 to index
      %get3A_316 = arith.index_cast %mul3A_264 : i32 to index
      %get3A_317 = tpu.vector_load %arg11[%get3A_315, %get3A_316] {strides = array<i32>} : memref<16x512xf32, #tpu.memory_space<vmem>>, vector<1x16xf32>,
      %get3A_318 = vector.shape_cast %get3A_317 : vector<1x16xf32> to vector<16xf32>
      %get3A_319 = arith.constant 11 : i32
      %get3A_320 = arith.index_cast %get3A_319 : i32 to index
      %get3A_321 = arith.index_cast %mul3A_264 : i32 to index
      %get3A_322 = tpu.vector_load %arg11[%get3A_320, %get3A_321] {strides = array<i32>} : memref<16x512xf32, #tpu.memory_space<vmem>>, vector<1x16xf32>,
      %get3A_323 = vector.shape_cast %get3A_322 : vector<1x16xf32> to vector<16xf32>
      %get3A_324 = arith.constant 12 : i32
      %get3A_325 = arith.index_cast %get3A_324 : i32 to index
      %get3A_326 = arith.index_cast %mul3A_264 : i32 to index
      %get3A_327 = tpu.vector_load %arg11[%get3A_325, %get3A_326] {strides = array<i32>} : memref<16x512xf32, #tpu.memory_space<vmem>>, vector<1x16xf32>,
      %get3A_328 = vector.shape_cast %get3A_327 : vector<1x16xf32> to vector<16xf32>
      %get3A_329 = arith.constant 13 : i32
      %get3A_330 = arith.index_cast %get3A_329 : i32 to index
      %get3A_331 = arith.index_cast %mul3A_264 : i32 to index
      %get3A_332 = tpu.vector_load %arg11[%get3A_330, %get3A_331] {strides = array<i32>} : memref<16x512xf32, #tpu.memory_space<vmem>>, vector<1x16xf32>,
      %get3A_333 = vector.shape_cast %get3A_332 : vector<1x16xf32> to vector<16xf32>
      %get3A_334 = arith.constant 14 : i32
      %get3A_335 = arith.index_cast %get3A_334 : i32 to index
      %get3A_336 = arith.index_cast %mul3A_264 : i32 to index
      %get3A_337 = tpu.vector_load %arg11[%get3A_335, %get3A_336] {strides = array<i32>} : memref<16x512xf32, #tpu.memory_space<vmem>>, vector<1x16xf32>,
      %get3A_338 = vector.shape_cast %get3A_337 : vector<1x16xf32> to vector<16xf32>
      %get3A_339 = arith.constant 15 : i32
      %get3A_340 = arith.index_cast %get3A_339 : i32 to index
      %get3A_341 = arith.index_cast %mul3A_264 : i32 to index
      %get3A_342 = tpu.vector_load %arg11[%get3A_340, %get3A_341] {strides = array<i32>} : memref<16x512xf32, #tpu.memory_space<vmem>>, vector<1x16xf32>,
      %get3A_343 = vector.shape_cast %get3A_342 : vector<1x16xf32> to vector<16xf32>
      %max3A = arith.maximumf %get3A_268, %get3A_273 : vector<16xf32>
      %max3A_344 = arith.maximumf %max3A, %get3A_278 : vector<16xf32>
      %max3A_345 = arith.maximumf %max3A_344, %get3A_283 : vector<16xf32>
      %max3A_346 = arith.maximumf %max3A_345, %get3A_288 : vector<16xf32>
      %max3A_347 = arith.maximumf %max3A_346, %get3A_293 : vector<16xf32>
      %max3A_348 = arith.maximumf %max3A_347, %get3A_298 : vector<16xf32>
      %max3A_349 = arith.maximumf %max3A_348, %get3A_303 : vector<16xf32>
      %max3A_350 = arith.maximumf %max3A_349, %get3A_308 : vector<16xf32>
      %max3A_351 = arith.maximumf %max3A_350, %get3A_313 : vector<16xf32>
      %max3A_352 = arith.maximumf %max3A_351, %get3A_318 : vector<16xf32>
      %max3A_353 = arith.maximumf %max3A_352, %get3A_323 : vector<16xf32>
      %max3A_354 = arith.maximumf %max3A_353, %get3A_328 : vector<16xf32>
      %max3A_355 = arith.maximumf %max3A_354, %get3A_333 : vector<16xf32>
      %max3A_356 = arith.maximumf %max3A_355, %get3A_338 : vector<16xf32>
      %max3A_357 = arith.maximumf %max3A_356, %get3A_343 : vector<16xf32>
      %sub3A = arith.subf %get3A_268, %max3A_357 : vector<16xf32>
      %exp3A = math.exp %sub3A : vector<16xf32>
      %sub3A_358 = arith.subf %get3A_273, %max3A_357 : vector<16xf32>
      %exp3A_359 = math.exp %sub3A_358 : vector<16xf32>
      %sub3A_360 = arith.subf %get3A_278, %max3A_357 : vector<16xf32>
      %exp3A_361 = math.exp %sub3A_360 : vector<16xf32>
      %sub3A_362 = arith.subf %get3A_283, %max3A_357 : vector<16xf32>
      %exp3A_363 = math.exp %sub3A_362 : vector<16xf32>
      %sub3A_364 = arith.subf %get3A_288, %max3A_357 : vector<16xf32>
      %exp3A_365 = math.exp %sub3A_364 : vector<16xf32>
      %sub3A_366 = arith.subf %get3A_293, %max3A_357 : vector<16xf32>
      %exp3A_367 = math.exp %sub3A_366 : vector<16xf32>
      %sub3A_368 = arith.subf %get3A_298, %max3A_357 : vector<16xf32>
      %exp3A_369 = math.exp %sub3A_368 : vector<16xf32>
      %sub3A_370 = arith.subf %get3A_303, %max3A_357 : vector<16xf32>
      %exp3A_371 = math.exp %sub3A_370 : vector<16xf32>
      %sub3A_372 = arith.subf %get3A_308, %max3A_357 : vector<16xf32>
      %exp3A_373 = math.exp %sub3A_372 : vector<16xf32>
      %sub3A_374 = arith.subf %get3A_313, %max3A_357 : vector<16xf32>
      %exp3A_375 = math.exp %sub3A_374 : vector<16xf32>
      %sub3A_376 = arith.subf %get3A_318, %max3A_357 : vector<16xf32>
      %exp3A_377 = math.exp %sub3A_376 : vector<16xf32>
      %sub3A_378 = arith.subf %get3A_323, %max3A_357 : vector<16xf32>
      %exp3A_379 = math.exp %sub3A_378 : vector<16xf32>
      %sub3A_380 = arith.subf %get3A_328, %max3A_357 : vector<16xf32>
      %exp3A_381 = math.exp %sub3A_380 : vector<16xf32>
      %sub3A_382 = arith.subf %get3A_333, %max3A_357 : vector<16xf32>
      %exp3A_383 = math.exp %sub3A_382 : vector<16xf32>
      %sub3A_384 = arith.subf %get3A_338, %max3A_357 : vector<16xf32>
      %exp3A_385 = math.exp %sub3A_384 : vector<16xf32>
      %sub3A_386 = arith.subf %get3A_343, %max3A_357 : vector<16xf32>
      %exp3A_387 = math.exp %sub3A_386 : vector<16xf32>
      %add3A_388 = arith.addf %exp3A, %exp3A_359 : vector<16xf32>
      %add3A_389 = arith.addf %add3A_388, %exp3A_361 : vector<16xf32>
      %add3A_390 = arith.addf %add3A_389, %exp3A_363 : vector<16xf32>
      %add3A_391 = arith.addf %add3A_390, %exp3A_365 : vector<16xf32>
      %add3A_392 = arith.addf %add3A_391, %exp3A_367 : vector<16xf32>
      %add3A_393 = arith.addf %add3A_392, %exp3A_369 : vector<16xf32>
      %add3A_394 = arith.addf %add3A_393, %exp3A_371 : vector<16xf32>
      %add3A_395 = arith.addf %add3A_394, %exp3A_373 : vector<16xf32>
      %add3A_396 = arith.addf %add3A_395, %exp3A_375 : vector<16xf32>
      %add3A_397 = arith.addf %add3A_396, %exp3A_377 : vector<16xf32>
      %add3A_398 = arith.addf %add3A_397, %exp3A_379 : vector<16xf32>
      %add3A_399 = arith.addf %add3A_398, %exp3A_381 : vector<16xf32>
      %add3A_400 = arith.addf %add3A_399, %exp3A_383 : vector<16xf32>
      %add3A_401 = arith.addf %add3A_400, %exp3A_385 : vector<16xf32>
      %add3A_402 = arith.addf %add3A_401, %exp3A_387 : vector<16xf32>
      %div3A = arith.constant 1.000000e+00 : f32
      %div3A_403 = vector.broadcast %div3A : f32 to vector<16xf32>
      %div3A_404 = arith.divf %div3A_403, %add3A_402 : vector<16xf32>
      %mul3A_405 = arith.mulf %exp3A, %div3A_404 : vector<16xf32>
      %mul3A_406 = arith.mulf %exp3A_359, %div3A_404 : vector<16xf32>
      %mul3A_407 = arith.mulf %exp3A_361, %div3A_404 : vector<16xf32>
      %mul3A_408 = arith.mulf %exp3A_363, %div3A_404 : vector<16xf32>
      %mul3A_409 = arith.mulf %exp3A_365, %div3A_404 : vector<16xf32>
      %mul3A_410 = arith.mulf %exp3A_367, %div3A_404 : vector<16xf32>
      %mul3A_411 = arith.mulf %exp3A_369, %div3A_404 : vector<16xf32>
      %mul3A_412 = arith.mulf %exp3A_371, %div3A_404 : vector<16xf32>
      %mul3A_413 = arith.mulf %exp3A_373, %div3A_404 : vector<16xf32>
      %mul3A_414 = arith.mulf %exp3A_375, %div3A_404 : vector<16xf32>
      %mul3A_415 = arith.mulf %exp3A_377, %div3A_404 : vector<16xf32>
      %mul3A_416 = arith.mulf %exp3A_379, %div3A_404 : vector<16xf32>
      %mul3A_417 = arith.mulf %exp3A_381, %div3A_404 : vector<16xf32>
      %mul3A_418 = arith.mulf %exp3A_383, %div3A_404 : vector<16xf32>
      %mul3A_419 = arith.mulf %exp3A_385, %div3A_404 : vector<16xf32>
      %mul3A_420 = arith.mulf %exp3A_387, %div3A_404 : vector<16xf32>
      %max3A_421 = arith.maximumf %mul3A_405, %mul3A_406 : vector<16xf32>
      %max3A_422 = arith.maximumf %max3A_421, %mul3A_407 : vector<16xf32>
      %max3A_423 = arith.maximumf %max3A_422, %mul3A_408 : vector<16xf32>
      %max3A_424 = arith.maximumf %max3A_423, %mul3A_409 : vector<16xf32>
      %max3A_425 = arith.maximumf %max3A_424, %mul3A_410 : vector<16xf32>
      %max3A_426 = arith.maximumf %max3A_425, %mul3A_411 : vector<16xf32>
      %max3A_427 = arith.maximumf %max3A_426, %mul3A_412 : vector<16xf32>
      %max3A_428 = arith.maximumf %max3A_427, %mul3A_413 : vector<16xf32>
      %max3A_429 = arith.maximumf %max3A_428, %mul3A_414 : vector<16xf32>
      %max3A_430 = arith.maximumf %max3A_429, %mul3A_415 : vector<16xf32>
      %max3A_431 = arith.maximumf %max3A_430, %mul3A_416 : vector<16xf32>
      %max3A_432 = arith.maximumf %max3A_431, %mul3A_417 : vector<16xf32>
      %max3A_433 = arith.maximumf %max3A_432, %mul3A_418 : vector<16xf32>
      %max3A_434 = arith.maximumf %max3A_433, %mul3A_419 : vector<16xf32>
      %max3A_435 = arith.maximumf %max3A_434, %mul3A_420 : vector<16xf32>
      %eq3A = arith.cmpf oeq, %mul3A_405, %max3A_435 : vector<16xf32>
      %jit3A = arith.constant 0 : i32
      %jit3A_436 = arith.constant 16 : i32
      %broadcast_in_dim3A_437 = vector.broadcast %jit3A : i32 to vector<16xi32>
      %broadcast_in_dim3A_438 = vector.broadcast %jit3A_436 : i32 to vector<16xi32>
      %select_n3A = arith.select %eq3A, %broadcast_in_dim3A_437, %broadcast_in_dim3A_438 : vector<16xi1>, vector<16xi32>
      %eq3A_439 = arith.cmpf oeq, %mul3A_406, %max3A_435 : vector<16xf32>
      %jit3A_440 = arith.constant 1 : i32
      %jit3A_441 = arith.constant 16 : i32
      %broadcast_in_dim3A_442 = vector.broadcast %jit3A_440 : i32 to vector<16xi32>
      %broadcast_in_dim3A_443 = vector.broadcast %jit3A_441 : i32 to vector<16xi32>
      %select_n3A_444 = arith.select %eq3A_439, %broadcast_in_dim3A_442, %broadcast_in_dim3A_443 : vector<16xi1>, vector<16xi32>
      %min3A = arith.minsi %select_n3A, %select_n3A_444 : vector<16xi32>
      %eq3A_445 = arith.cmpf oeq, %mul3A_407, %max3A_435 : vector<16xf32>
      %jit3A_446 = arith.constant 2 : i32
      %jit3A_447 = arith.constant 16 : i32
      %broadcast_in_dim3A_448 = vector.broadcast %jit3A_446 : i32 to vector<16xi32>
      %broadcast_in_dim3A_449 = vector.broadcast %jit3A_447 : i32 to vector<16xi32>
      %select_n3A_450 = arith.select %eq3A_445, %broadcast_in_dim3A_448, %broadcast_in_dim3A_449 : vector<16xi1>, vector<16xi32>
      %min3A_451 = arith.minsi %min3A, %select_n3A_450 : vector<16xi32>
      %eq3A_452 = arith.cmpf oeq, %mul3A_408, %max3A_435 : vector<16xf32>
      %jit3A_453 = arith.constant 3 : i32
      %jit3A_454 = arith.constant 16 : i32
      %broadcast_in_dim3A_455 = vector.broadcast %jit3A_453 : i32 to vector<16xi32>
      %broadcast_in_dim3A_456 = vector.broadcast %jit3A_454 : i32 to vector<16xi32>
      %select_n3A_457 = arith.select %eq3A_452, %broadcast_in_dim3A_455, %broadcast_in_dim3A_456 : vector<16xi1>, vector<16xi32>
      %min3A_458 = arith.minsi %min3A_451, %select_n3A_457 : vector<16xi32>
      %eq3A_459 = arith.cmpf oeq, %mul3A_409, %max3A_435 : vector<16xf32>
      %jit3A_460 = arith.constant 4 : i32
      %jit3A_461 = arith.constant 16 : i32
      %broadcast_in_dim3A_462 = vector.broadcast %jit3A_460 : i32 to vector<16xi32>
      %broadcast_in_dim3A_463 = vector.broadcast %jit3A_461 : i32 to vector<16xi32>
      %select_n3A_464 = arith.select %eq3A_459, %broadcast_in_dim3A_462, %broadcast_in_dim3A_463 : vector<16xi1>, vector<16xi32>
      %min3A_465 = arith.minsi %min3A_458, %select_n3A_464 : vector<16xi32>
      %eq3A_466 = arith.cmpf oeq, %mul3A_410, %max3A_435 : vector<16xf32>
      %jit3A_467 = arith.constant 5 : i32
      %jit3A_468 = arith.constant 16 : i32
      %broadcast_in_dim3A_469 = vector.broadcast %jit3A_467 : i32 to vector<16xi32>
      %broadcast_in_dim3A_470 = vector.broadcast %jit3A_468 : i32 to vector<16xi32>
      %select_n3A_471 = arith.select %eq3A_466, %broadcast_in_dim3A_469, %broadcast_in_dim3A_470 : vector<16xi1>, vector<16xi32>
      %min3A_472 = arith.minsi %min3A_465, %select_n3A_471 : vector<16xi32>
      %eq3A_473 = arith.cmpf oeq, %mul3A_411, %max3A_435 : vector<16xf32>
      %jit3A_474 = arith.constant 6 : i32
      %jit3A_475 = arith.constant 16 : i32
      %broadcast_in_dim3A_476 = vector.broadcast %jit3A_474 : i32 to vector<16xi32>
      %broadcast_in_dim3A_477 = vector.broadcast %jit3A_475 : i32 to vector<16xi32>
      %select_n3A_478 = arith.select %eq3A_473, %broadcast_in_dim3A_476, %broadcast_in_dim3A_477 : vector<16xi1>, vector<16xi32>
      %min3A_479 = arith.minsi %min3A_472, %select_n3A_478 : vector<16xi32>
      %eq3A_480 = arith.cmpf oeq, %mul3A_412, %max3A_435 : vector<16xf32>
      %jit3A_481 = arith.constant 7 : i32
      %jit3A_482 = arith.constant 16 : i32
      %broadcast_in_dim3A_483 = vector.broadcast %jit3A_481 : i32 to vector<16xi32>
      %broadcast_in_dim3A_484 = vector.broadcast %jit3A_482 : i32 to vector<16xi32>
      %select_n3A_485 = arith.select %eq3A_480, %broadcast_in_dim3A_483, %broadcast_in_dim3A_484 : vector<16xi1>, vector<16xi32>
      %min3A_486 = arith.minsi %min3A_479, %select_n3A_485 : vector<16xi32>
      %eq3A_487 = arith.cmpf oeq, %mul3A_413, %max3A_435 : vector<16xf32>
      %jit3A_488 = arith.constant 8 : i32
      %jit3A_489 = arith.constant 16 : i32
      %broadcast_in_dim3A_490 = vector.broadcast %jit3A_488 : i32 to vector<16xi32>
      %broadcast_in_dim3A_491 = vector.broadcast %jit3A_489 : i32 to vector<16xi32>
      %select_n3A_492 = arith.select %eq3A_487, %broadcast_in_dim3A_490, %broadcast_in_dim3A_491 : vector<16xi1>, vector<16xi32>
      %min3A_493 = arith.minsi %min3A_486, %select_n3A_492 : vector<16xi32>
      %eq3A_494 = arith.cmpf oeq, %mul3A_414, %max3A_435 : vector<16xf32>
      %jit3A_495 = arith.constant 9 : i32
      %jit3A_496 = arith.constant 16 : i32
      %broadcast_in_dim3A_497 = vector.broadcast %jit3A_495 : i32 to vector<16xi32>
      %broadcast_in_dim3A_498 = vector.broadcast %jit3A_496 : i32 to vector<16xi32>
      %select_n3A_499 = arith.select %eq3A_494, %broadcast_in_dim3A_497, %broadcast_in_dim3A_498 : vector<16xi1>, vector<16xi32>
      %min3A_500 = arith.minsi %min3A_493, %select_n3A_499 : vector<16xi32>
      %eq3A_501 = arith.cmpf oeq, %mul3A_415, %max3A_435 : vector<16xf32>
      %jit3A_502 = arith.constant 10 : i32
      %jit3A_503 = arith.constant 16 : i32
      %broadcast_in_dim3A_504 = vector.broadcast %jit3A_502 : i32 to vector<16xi32>
      %broadcast_in_dim3A_505 = vector.broadcast %jit3A_503 : i32 to vector<16xi32>
      %select_n3A_506 = arith.select %eq3A_501, %broadcast_in_dim3A_504, %broadcast_in_dim3A_505 : vector<16xi1>, vector<16xi32>
      %min3A_507 = arith.minsi %min3A_500, %select_n3A_506 : vector<16xi32>
      %eq3A_508 = arith.cmpf oeq, %mul3A_416, %max3A_435 : vector<16xf32>
      %jit3A_509 = arith.constant 11 : i32
      %jit3A_510 = arith.constant 16 : i32
      %broadcast_in_dim3A_511 = vector.broadcast %jit3A_509 : i32 to vector<16xi32>
      %broadcast_in_dim3A_512 = vector.broadcast %jit3A_510 : i32 to vector<16xi32>
      %select_n3A_513 = arith.select %eq3A_508, %broadcast_in_dim3A_511, %broadcast_in_dim3A_512 : vector<16xi1>, vector<16xi32>
      %min3A_514 = arith.minsi %min3A_507, %select_n3A_513 : vector<16xi32>
      %eq3A_515 = arith.cmpf oeq, %mul3A_417, %max3A_435 : vector<16xf32>
      %jit3A_516 = arith.constant 12 : i32
      %jit3A_517 = arith.constant 16 : i32
      %broadcast_in_dim3A_518 = vector.broadcast %jit3A_516 : i32 to vector<16xi32>
      %broadcast_in_dim3A_519 = vector.broadcast %jit3A_517 : i32 to vector<16xi32>
      %select_n3A_520 = arith.select %eq3A_515, %broadcast_in_dim3A_518, %broadcast_in_dim3A_519 : vector<16xi1>, vector<16xi32>
      %min3A_521 = arith.minsi %min3A_514, %select_n3A_520 : vector<16xi32>
      %eq3A_522 = arith.cmpf oeq, %mul3A_418, %max3A_435 : vector<16xf32>
      %jit3A_523 = arith.constant 13 : i32
      %jit3A_524 = arith.constant 16 : i32
      %broadcast_in_dim3A_525 = vector.broadcast %jit3A_523 : i32 to vector<16xi32>
      %broadcast_in_dim3A_526 = vector.broadcast %jit3A_524 : i32 to vector<16xi32>
      %select_n3A_527 = arith.select %eq3A_522, %broadcast_in_dim3A_525, %broadcast_in_dim3A_526 : vector<16xi1>, vector<16xi32>
      %min3A_528 = arith.minsi %min3A_521, %select_n3A_527 : vector<16xi32>
      %eq3A_529 = arith.cmpf oeq, %mul3A_419, %max3A_435 : vector<16xf32>
      %jit3A_530 = arith.constant 14 : i32
      %jit3A_531 = arith.constant 16 : i32
      %broadcast_in_dim3A_532 = vector.broadcast %jit3A_530 : i32 to vector<16xi32>
      %broadcast_in_dim3A_533 = vector.broadcast %jit3A_531 : i32 to vector<16xi32>
      %select_n3A_534 = arith.select %eq3A_529, %broadcast_in_dim3A_532, %broadcast_in_dim3A_533 : vector<16xi1>, vector<16xi32>
      %min3A_535 = arith.minsi %min3A_528, %select_n3A_534 : vector<16xi32>
      %eq3A_536 = arith.cmpf oeq, %mul3A_420, %max3A_435 : vector<16xf32>
      %jit3A_537 = arith.constant 15 : i32
      %jit3A_538 = arith.constant 16 : i32
      %broadcast_in_dim3A_539 = vector.broadcast %jit3A_537 : i32 to vector<16xi32>
      %broadcast_in_dim3A_540 = vector.broadcast %jit3A_538 : i32 to vector<16xi32>
      %select_n3A_541 = arith.select %eq3A_536, %broadcast_in_dim3A_539, %broadcast_in_dim3A_540 : vector<16xi1>, vector<16xi32>
      %min3A_542 = arith.minsi %min3A_535, %select_n3A_541 : vector<16xi32>
      %eq3A_543 = arith.constant 0 : i32
      %eq3A_544 = vector.broadcast %eq3A_543 : i32 to vector<16xi32>
      %eq3A_545 = arith.cmpi eq, %min3A_542, %eq3A_544 : vector<16xi32>
      %jit3A_546 = arith.constant 0xFF800000 : f32
      %broadcast_in_dim3A_547 = vector.broadcast %jit3A_546 : f32 to vector<16xf32>
      %select_n3A_548 = arith.select %eq3A_545, %broadcast_in_dim3A_547, %mul3A_405 : vector<16xi1>, vector<16xf32>
      %eq3A_549 = arith.constant 1 : i32
      %eq3A_550 = vector.broadcast %eq3A_549 : i32 to vector<16xi32>
      %eq3A_551 = arith.cmpi eq, %min3A_542, %eq3A_550 : vector<16xi32>
      %jit3A_552 = arith.constant 0xFF800000 : f32
      %broadcast_in_dim3A_553 = vector.broadcast %jit3A_552 : f32 to vector<16xf32>
      %select_n3A_554 = arith.select %eq3A_551, %broadcast_in_dim3A_553, %mul3A_406 : vector<16xi1>, vector<16xf32>
      %eq3A_555 = arith.constant 2 : i32
      %eq3A_556 = vector.broadcast %eq3A_555 : i32 to vector<16xi32>
      %eq3A_557 = arith.cmpi eq, %min3A_542, %eq3A_556 : vector<16xi32>
      %jit3A_558 = arith.constant 0xFF800000 : f32
      %broadcast_in_dim3A_559 = vector.broadcast %jit3A_558 : f32 to vector<16xf32>
      %select_n3A_560 = arith.select %eq3A_557, %broadcast_in_dim3A_559, %mul3A_407 : vector<16xi1>, vector<16xf32>
      %eq3A_561 = arith.constant 3 : i32
      %eq3A_562 = vector.broadcast %eq3A_561 : i32 to vector<16xi32>
      %eq3A_563 = arith.cmpi eq, %min3A_542, %eq3A_562 : vector<16xi32>
      %jit3A_564 = arith.constant 0xFF800000 : f32
      %broadcast_in_dim3A_565 = vector.broadcast %jit3A_564 : f32 to vector<16xf32>
      %select_n3A_566 = arith.select %eq3A_563, %broadcast_in_dim3A_565, %mul3A_408 : vector<16xi1>, vector<16xf32>
      %eq3A_567 = arith.constant 4 : i32
      %eq3A_568 = vector.broadcast %eq3A_567 : i32 to vector<16xi32>
      %eq3A_569 = arith.cmpi eq, %min3A_542, %eq3A_568 : vector<16xi32>
      %jit3A_570 = arith.constant 0xFF800000 : f32
      %broadcast_in_dim3A_571 = vector.broadcast %jit3A_570 : f32 to vector<16xf32>
      %select_n3A_572 = arith.select %eq3A_569, %broadcast_in_dim3A_571, %mul3A_409 : vector<16xi1>, vector<16xf32>
      %eq3A_573 = arith.constant 5 : i32
      %eq3A_574 = vector.broadcast %eq3A_573 : i32 to vector<16xi32>
      %eq3A_575 = arith.cmpi eq, %min3A_542, %eq3A_574 : vector<16xi32>
      %jit3A_576 = arith.constant 0xFF800000 : f32
      %broadcast_in_dim3A_577 = vector.broadcast %jit3A_576 : f32 to vector<16xf32>
      %select_n3A_578 = arith.select %eq3A_575, %broadcast_in_dim3A_577, %mul3A_410 : vector<16xi1>, vector<16xf32>
      %eq3A_579 = arith.constant 6 : i32
      %eq3A_580 = vector.broadcast %eq3A_579 : i32 to vector<16xi32>
      %eq3A_581 = arith.cmpi eq, %min3A_542, %eq3A_580 : vector<16xi32>
      %jit3A_582 = arith.constant 0xFF800000 : f32
      %broadcast_in_dim3A_583 = vector.broadcast %jit3A_582 : f32 to vector<16xf32>
      %select_n3A_584 = arith.select %eq3A_581, %broadcast_in_dim3A_583, %mul3A_411 : vector<16xi1>, vector<16xf32>
      %eq3A_585 = arith.constant 7 : i32
      %eq3A_586 = vector.broadcast %eq3A_585 : i32 to vector<16xi32>
      %eq3A_587 = arith.cmpi eq, %min3A_542, %eq3A_586 : vector<16xi32>
      %jit3A_588 = arith.constant 0xFF800000 : f32
      %broadcast_in_dim3A_589 = vector.broadcast %jit3A_588 : f32 to vector<16xf32>
      %select_n3A_590 = arith.select %eq3A_587, %broadcast_in_dim3A_589, %mul3A_412 : vector<16xi1>, vector<16xf32>
      %eq3A_591 = arith.constant 8 : i32
      %eq3A_592 = vector.broadcast %eq3A_591 : i32 to vector<16xi32>
      %eq3A_593 = arith.cmpi eq, %min3A_542, %eq3A_592 : vector<16xi32>
      %jit3A_594 = arith.constant 0xFF800000 : f32
      %broadcast_in_dim3A_595 = vector.broadcast %jit3A_594 : f32 to vector<16xf32>
      %select_n3A_596 = arith.select %eq3A_593, %broadcast_in_dim3A_595, %mul3A_413 : vector<16xi1>, vector<16xf32>
      %eq3A_597 = arith.constant 9 : i32
      %eq3A_598 = vector.broadcast %eq3A_597 : i32 to vector<16xi32>
      %eq3A_599 = arith.cmpi eq, %min3A_542, %eq3A_598 : vector<16xi32>
      %jit3A_600 = arith.constant 0xFF800000 : f32
      %broadcast_in_dim3A_601 = vector.broadcast %jit3A_600 : f32 to vector<16xf32>
      %select_n3A_602 = arith.select %eq3A_599, %broadcast_in_dim3A_601, %mul3A_414 : vector<16xi1>, vector<16xf32>
      %eq3A_603 = arith.constant 10 : i32
      %eq3A_604 = vector.broadcast %eq3A_603 : i32 to vector<16xi32>
      %eq3A_605 = arith.cmpi eq, %min3A_542, %eq3A_604 : vector<16xi32>
      %jit3A_606 = arith.constant 0xFF800000 : f32
      %broadcast_in_dim3A_607 = vector.broadcast %jit3A_606 : f32 to vector<16xf32>
      %select_n3A_608 = arith.select %eq3A_605, %broadcast_in_dim3A_607, %mul3A_415 : vector<16xi1>, vector<16xf32>
      %eq3A_609 = arith.constant 11 : i32
      %eq3A_610 = vector.broadcast %eq3A_609 : i32 to vector<16xi32>
      %eq3A_611 = arith.cmpi eq, %min3A_542, %eq3A_610 : vector<16xi32>
      %jit3A_612 = arith.constant 0xFF800000 : f32
      %broadcast_in_dim3A_613 = vector.broadcast %jit3A_612 : f32 to vector<16xf32>
      %select_n3A_614 = arith.select %eq3A_611, %broadcast_in_dim3A_613, %mul3A_416 : vector<16xi1>, vector<16xf32>
      %eq3A_615 = arith.constant 12 : i32
      %eq3A_616 = vector.broadcast %eq3A_615 : i32 to vector<16xi32>
      %eq3A_617 = arith.cmpi eq, %min3A_542, %eq3A_616 : vector<16xi32>
      %jit3A_618 = arith.constant 0xFF800000 : f32
      %broadcast_in_dim3A_619 = vector.broadcast %jit3A_618 : f32 to vector<16xf32>
      %select_n3A_620 = arith.select %eq3A_617, %broadcast_in_dim3A_619, %mul3A_417 : vector<16xi1>, vector<16xf32>
      %eq3A_621 = arith.constant 13 : i32
      %eq3A_622 = vector.broadcast %eq3A_621 : i32 to vector<16xi32>
      %eq3A_623 = arith.cmpi eq, %min3A_542, %eq3A_622 : vector<16xi32>
      %jit3A_624 = arith.constant 0xFF800000 : f32
      %broadcast_in_dim3A_625 = vector.broadcast %jit3A_624 : f32 to vector<16xf32>
      %select_n3A_626 = arith.select %eq3A_623, %broadcast_in_dim3A_625, %mul3A_418 : vector<16xi1>, vector<16xf32>
      %eq3A_627 = arith.constant 14 : i32
      %eq3A_628 = vector.broadcast %eq3A_627 : i32 to vector<16xi32>
      %eq3A_629 = arith.cmpi eq, %min3A_542, %eq3A_628 : vector<16xi32>
      %jit3A_630 = arith.constant 0xFF800000 : f32
      %broadcast_in_dim3A_631 = vector.broadcast %jit3A_630 : f32 to vector<16xf32>
      %select_n3A_632 = arith.select %eq3A_629, %broadcast_in_dim3A_631, %mul3A_419 : vector<16xi1>, vector<16xf32>
      %eq3A_633 = arith.constant 15 : i32
      %eq3A_634 = vector.broadcast %eq3A_633 : i32 to vector<16xi32>
      %eq3A_635 = arith.cmpi eq, %min3A_542, %eq3A_634 : vector<16xi32>
      %jit3A_636 = arith.constant 0xFF800000 : f32
      %broadcast_in_dim3A_637 = vector.broadcast %jit3A_636 : f32 to vector<16xf32>
      %select_n3A_638 = arith.select %eq3A_635, %broadcast_in_dim3A_637, %mul3A_420 : vector<16xi1>, vector<16xf32>
      %max3A_639 = arith.maximumf %select_n3A_548, %select_n3A_554 : vector<16xf32>
      %max3A_640 = arith.maximumf %max3A_639, %select_n3A_560 : vector<16xf32>
      %max3A_641 = arith.maximumf %max3A_640, %select_n3A_566 : vector<16xf32>
      %max3A_642 = arith.maximumf %max3A_641, %select_n3A_572 : vector<16xf32>
      %max3A_643 = arith.maximumf %max3A_642, %select_n3A_578 : vector<16xf32>
      %max3A_644 = arith.maximumf %max3A_643, %select_n3A_584 : vector<16xf32>
      %max3A_645 = arith.maximumf %max3A_644, %select_n3A_590 : vector<16xf32>
      %max3A_646 = arith.maximumf %max3A_645, %select_n3A_596 : vector<16xf32>
      %max3A_647 = arith.maximumf %max3A_646, %select_n3A_602 : vector<16xf32>
      %max3A_648 = arith.maximumf %max3A_647, %select_n3A_608 : vector<16xf32>
      %max3A_649 = arith.maximumf %max3A_648, %select_n3A_614 : vector<16xf32>
      %max3A_650 = arith.maximumf %max3A_649, %select_n3A_620 : vector<16xf32>
      %max3A_651 = arith.maximumf %max3A_650, %select_n3A_626 : vector<16xf32>
      %max3A_652 = arith.maximumf %max3A_651, %select_n3A_632 : vector<16xf32>
      %max3A_653 = arith.maximumf %max3A_652, %select_n3A_638 : vector<16xf32>
      %eq3A_654 = arith.cmpf oeq, %select_n3A_548, %max3A_653 : vector<16xf32>
      %jit3A_655 = arith.constant 0 : i32
      %jit3A_656 = arith.constant 16 : i32
      %broadcast_in_dim3A_657 = vector.broadcast %jit3A_655 : i32 to vector<16xi32>
      %broadcast_in_dim3A_658 = vector.broadcast %jit3A_656 : i32 to vector<16xi32>
      %select_n3A_659 = arith.select %eq3A_654, %broadcast_in_dim3A_657, %broadcast_in_dim3A_658 : vector<16xi1>, vector<16xi32>
      %eq3A_660 = arith.cmpf oeq, %select_n3A_554, %max3A_653 : vector<16xf32>
      %jit3A_661 = arith.constant 1 : i32
      %jit3A_662 = arith.constant 16 : i32
      %broadcast_in_dim3A_663 = vector.broadcast %jit3A_661 : i32 to vector<16xi32>
      %broadcast_in_dim3A_664 = vector.broadcast %jit3A_662 : i32 to vector<16xi32>
      %select_n3A_665 = arith.select %eq3A_660, %broadcast_in_dim3A_663, %broadcast_in_dim3A_664 : vector<16xi1>, vector<16xi32>
      %min3A_666 = arith.minsi %select_n3A_659, %select_n3A_665 : vector<16xi32>
      %eq3A_667 = arith.cmpf oeq, %select_n3A_560, %max3A_653 : vector<16xf32>
      %jit3A_668 = arith.constant 2 : i32
      %jit3A_669 = arith.constant 16 : i32
      %broadcast_in_dim3A_670 = vector.broadcast %jit3A_668 : i32 to vector<16xi32>
      %broadcast_in_dim3A_671 = vector.broadcast %jit3A_669 : i32 to vector<16xi32>
      %select_n3A_672 = arith.select %eq3A_667, %broadcast_in_dim3A_670, %broadcast_in_dim3A_671 : vector<16xi1>, vector<16xi32>
      %min3A_673 = arith.minsi %min3A_666, %select_n3A_672 : vector<16xi32>
      %eq3A_674 = arith.cmpf oeq, %select_n3A_566, %max3A_653 : vector<16xf32>
      %jit3A_675 = arith.constant 3 : i32
      %jit3A_676 = arith.constant 16 : i32
      %broadcast_in_dim3A_677 = vector.broadcast %jit3A_675 : i32 to vector<16xi32>
      %broadcast_in_dim3A_678 = vector.broadcast %jit3A_676 : i32 to vector<16xi32>
      %select_n3A_679 = arith.select %eq3A_674, %broadcast_in_dim3A_677, %broadcast_in_dim3A_678 : vector<16xi1>, vector<16xi32>
      %min3A_680 = arith.minsi %min3A_673, %select_n3A_679 : vector<16xi32>
      %eq3A_681 = arith.cmpf oeq, %select_n3A_572, %max3A_653 : vector<16xf32>
      %jit3A_682 = arith.constant 4 : i32
      %jit3A_683 = arith.constant 16 : i32
      %broadcast_in_dim3A_684 = vector.broadcast %jit3A_682 : i32 to vector<16xi32>
      %broadcast_in_dim3A_685 = vector.broadcast %jit3A_683 : i32 to vector<16xi32>
      %select_n3A_686 = arith.select %eq3A_681, %broadcast_in_dim3A_684, %broadcast_in_dim3A_685 : vector<16xi1>, vector<16xi32>
      %min3A_687 = arith.minsi %min3A_680, %select_n3A_686 : vector<16xi32>
      %eq3A_688 = arith.cmpf oeq, %select_n3A_578, %max3A_653 : vector<16xf32>
      %jit3A_689 = arith.constant 5 : i32
      %jit3A_690 = arith.constant 16 : i32
      %broadcast_in_dim3A_691 = vector.broadcast %jit3A_689 : i32 to vector<16xi32>
      %broadcast_in_dim3A_692 = vector.broadcast %jit3A_690 : i32 to vector<16xi32>
      %select_n3A_693 = arith.select %eq3A_688, %broadcast_in_dim3A_691, %broadcast_in_dim3A_692 : vector<16xi1>, vector<16xi32>
      %min3A_694 = arith.minsi %min3A_687, %select_n3A_693 : vector<16xi32>
      %eq3A_695 = arith.cmpf oeq, %select_n3A_584, %max3A_653 : vector<16xf32>
      %jit3A_696 = arith.constant 6 : i32
      %jit3A_697 = arith.constant 16 : i32
      %broadcast_in_dim3A_698 = vector.broadcast %jit3A_696 : i32 to vector<16xi32>
      %broadcast_in_dim3A_699 = vector.broadcast %jit3A_697 : i32 to vector<16xi32>
      %select_n3A_700 = arith.select %eq3A_695, %broadcast_in_dim3A_698, %broadcast_in_dim3A_699 : vector<16xi1>, vector<16xi32>
      %min3A_701 = arith.minsi %min3A_694, %select_n3A_700 : vector<16xi32>
      %eq3A_702 = arith.cmpf oeq, %select_n3A_590, %max3A_653 : vector<16xf32>
      %jit3A_703 = arith.constant 7 : i32
      %jit3A_704 = arith.constant 16 : i32
      %broadcast_in_dim3A_705 = vector.broadcast %jit3A_703 : i32 to vector<16xi32>
      %broadcast_in_dim3A_706 = vector.broadcast %jit3A_704 : i32 to vector<16xi32>
      %select_n3A_707 = arith.select %eq3A_702, %broadcast_in_dim3A_705, %broadcast_in_dim3A_706 : vector<16xi1>, vector<16xi32>
      %min3A_708 = arith.minsi %min3A_701, %select_n3A_707 : vector<16xi32>
      %eq3A_709 = arith.cmpf oeq, %select_n3A_596, %max3A_653 : vector<16xf32>
      %jit3A_710 = arith.constant 8 : i32
      %jit3A_711 = arith.constant 16 : i32
      %broadcast_in_dim3A_712 = vector.broadcast %jit3A_710 : i32 to vector<16xi32>
      %broadcast_in_dim3A_713 = vector.broadcast %jit3A_711 : i32 to vector<16xi32>
      %select_n3A_714 = arith.select %eq3A_709, %broadcast_in_dim3A_712, %broadcast_in_dim3A_713 : vector<16xi1>, vector<16xi32>
      %min3A_715 = arith.minsi %min3A_708, %select_n3A_714 : vector<16xi32>
      %eq3A_716 = arith.cmpf oeq, %select_n3A_602, %max3A_653 : vector<16xf32>
      %jit3A_717 = arith.constant 9 : i32
      %jit3A_718 = arith.constant 16 : i32
      %broadcast_in_dim3A_719 = vector.broadcast %jit3A_717 : i32 to vector<16xi32>
      %broadcast_in_dim3A_720 = vector.broadcast %jit3A_718 : i32 to vector<16xi32>
      %select_n3A_721 = arith.select %eq3A_716, %broadcast_in_dim3A_719, %broadcast_in_dim3A_720 : vector<16xi1>, vector<16xi32>
      %min3A_722 = arith.minsi %min3A_715, %select_n3A_721 : vector<16xi32>
      %eq3A_723 = arith.cmpf oeq, %select_n3A_608, %max3A_653 : vector<16xf32>
      %jit3A_724 = arith.constant 10 : i32
      %jit3A_725 = arith.constant 16 : i32
      %broadcast_in_dim3A_726 = vector.broadcast %jit3A_724 : i32 to vector<16xi32>
      %broadcast_in_dim3A_727 = vector.broadcast %jit3A_725 : i32 to vector<16xi32>
      %select_n3A_728 = arith.select %eq3A_723, %broadcast_in_dim3A_726, %broadcast_in_dim3A_727 : vector<16xi1>, vector<16xi32>
      %min3A_729 = arith.minsi %min3A_722, %select_n3A_728 : vector<16xi32>
      %eq3A_730 = arith.cmpf oeq, %select_n3A_614, %max3A_653 : vector<16xf32>
      %jit3A_731 = arith.constant 11 : i32
      %jit3A_732 = arith.constant 16 : i32
      %broadcast_in_dim3A_733 = vector.broadcast %jit3A_731 : i32 to vector<16xi32>
      %broadcast_in_dim3A_734 = vector.broadcast %jit3A_732 : i32 to vector<16xi32>
      %select_n3A_735 = arith.select %eq3A_730, %broadcast_in_dim3A_733, %broadcast_in_dim3A_734 : vector<16xi1>, vector<16xi32>
      %min3A_736 = arith.minsi %min3A_729, %select_n3A_735 : vector<16xi32>
      %eq3A_737 = arith.cmpf oeq, %select_n3A_620, %max3A_653 : vector<16xf32>
      %jit3A_738 = arith.constant 12 : i32
      %jit3A_739 = arith.constant 16 : i32
      %broadcast_in_dim3A_740 = vector.broadcast %jit3A_738 : i32 to vector<16xi32>
      %broadcast_in_dim3A_741 = vector.broadcast %jit3A_739 : i32 to vector<16xi32>
      %select_n3A_742 = arith.select %eq3A_737, %broadcast_in_dim3A_740, %broadcast_in_dim3A_741 : vector<16xi1>, vector<16xi32>
      %min3A_743 = arith.minsi %min3A_736, %select_n3A_742 : vector<16xi32>
      %eq3A_744 = arith.cmpf oeq, %select_n3A_626, %max3A_653 : vector<16xf32>
      %jit3A_745 = arith.constant 13 : i32
      %jit3A_746 = arith.constant 16 : i32
      %broadcast_in_dim3A_747 = vector.broadcast %jit3A_745 : i32 to vector<16xi32>
      %broadcast_in_dim3A_748 = vector.broadcast %jit3A_746 : i32 to vector<16xi32>
      %select_n3A_749 = arith.select %eq3A_744, %broadcast_in_dim3A_747, %broadcast_in_dim3A_748 : vector<16xi1>, vector<16xi32>
      %min3A_750 = arith.minsi %min3A_743, %select_n3A_749 : vector<16xi32>
      %eq3A_751 = arith.cmpf oeq, %select_n3A_632, %max3A_653 : vector<16xf32>
      %jit3A_752 = arith.constant 14 : i32
      %jit3A_753 = arith.constant 16 : i32
      %broadcast_in_dim3A_754 = vector.broadcast %jit3A_752 : i32 to vector<16xi32>
      %broadcast_in_dim3A_755 = vector.broadcast %jit3A_753 : i32 to vector<16xi32>
      %select_n3A_756 = arith.select %eq3A_751, %broadcast_in_dim3A_754, %broadcast_in_dim3A_755 : vector<16xi1>, vector<16xi32>
      %min3A_757 = arith.minsi %min3A_750, %select_n3A_756 : vector<16xi32>
      %eq3A_758 = arith.cmpf oeq, %select_n3A_638, %max3A_653 : vector<16xf32>
      %jit3A_759 = arith.constant 15 : i32
      %jit3A_760 = arith.constant 16 : i32
      %broadcast_in_dim3A_761 = vector.broadcast %jit3A_759 : i32 to vector<16xi32>
      %broadcast_in_dim3A_762 = vector.broadcast %jit3A_760 : i32 to vector<16xi32>
      %select_n3A_763 = arith.select %eq3A_758, %broadcast_in_dim3A_761, %broadcast_in_dim3A_762 : vector<16xi1>, vector<16xi32>
      %min3A_764 = arith.minsi %min3A_757, %select_n3A_763 : vector<16xi32>
      %swap3A_765 = arith.index_cast %mul3A_264 : i32 to index
      %swap3A_766 = tpu.vector_load %arg12[%swap3A_765] {strides = array<i32>} : memref<512xi32, #tpu.memory_space<vmem>>, vector<16xi32>,
      %swap3A_767 = vector.shape_cast %swap3A_766 : vector<16xi32> to vector<16xi32>
      %swap3A_768 = vector.shape_cast %min3A_542 : vector<16xi32> to vector<16xi32>
      tpu.vector_store %arg12[%swap3A_765], %swap3A_768 {strides = array<i32>} : memref<512xi32, #tpu.memory_space<vmem>>, vector<16xi32>,
      %swap3A_769 = arith.index_cast %mul3A_264 : i32 to index
      %swap3A_770 = tpu.vector_load %arg13[%swap3A_769] {strides = array<i32>} : memref<512xi32, #tpu.memory_space<vmem>>, vector<16xi32>,
      %swap3A_771 = vector.shape_cast %swap3A_770 : vector<16xi32> to vector<16xi32>
      %swap3A_772 = vector.shape_cast %min3A_764 : vector<16xi32> to vector<16xi32>
      tpu.vector_store %arg13[%swap3A_769], %swap3A_772 {strides = array<i32>} : memref<512xi32, #tpu.memory_space<vmem>>, vector<16xi32>,
      %swap3A_773 = arith.index_cast %mul3A_264 : i32 to index
      %swap3A_774 = tpu.vector_load %arg14[%swap3A_773] {strides = array<i32>} : memref<512xf32, #tpu.memory_space<vmem>>, vector<16xf32>,
      %swap3A_775 = vector.shape_cast %swap3A_774 : vector<16xf32> to vector<16xf32>
      %swap3A_776 = vector.shape_cast %max3A_435 : vector<16xf32> to vector<16xf32>
      tpu.vector_store %arg14[%swap3A_773], %swap3A_776 {strides = array<i32>} : memref<512xf32, #tpu.memory_space<vmem>>, vector<16xf32>,
      %swap3A_777 = arith.index_cast %mul3A_264 : i32 to index
      %swap3A_778 = tpu.vector_load %arg15[%swap3A_777] {strides = array<i32>} : memref<512xf32, #tpu.memory_space<vmem>>, vector<16xf32>,
      %swap3A_779 = vector.shape_cast %swap3A_778 : vector<16xf32> to vector<16xf32>
      %swap3A_780 = vector.shape_cast %max3A_653 : vector<16xf32> to vector<16xf32>
      tpu.vector_store %arg15[%swap3A_777], %swap3A_780 {strides = array<i32>} : memref<512xf32, #tpu.memory_space<vmem>>, vector<16xf32>,
      %add3A_781 = arith.addi %mul3A_2, %mul3A_264 : i32
      %add3A_782 = vector.broadcast %add3A_781 : i32 to vector<16xi32>
      %add3A_783 = arith.addi %iota3A, %add3A_782 : vector<16xi32>
      %swap3A_784 = arith.index_cast %mul3A_264 : i32 to index
      %swap3A_785 = tpu.vector_load %arg16[%swap3A_784] {strides = array<i32>} : memref<512xi32, #tpu.memory_space<vmem>>, vector<16xi32>,
      %swap3A_786 = vector.shape_cast %swap3A_785 : vector<16xi32> to vector<16xi32>
      %swap3A_787 = vector.shape_cast %add3A_783 : vector<16xi32> to vector<16xi32>
      tpu.vector_store %arg16[%swap3A_784], %swap3A_787 {strides = array<i32>} : memref<512xi32, #tpu.memory_space<vmem>>, vector<16xi32>,
      %add3A_788 = arith.constant 16384 : i32
      %add3A_789 = vector.broadcast %add3A_788 : i32 to vector<16xi32>
      %add3A_790 = arith.addi %add3A_783, %add3A_789 : vector<16xi32>
      %swap3A_791 = arith.index_cast %mul3A_264 : i32 to index
      %swap3A_792 = tpu.vector_load %arg17[%swap3A_791] {strides = array<i32>} : memref<512xi32, #tpu.memory_space<vmem>>, vector<16xi32>,
      %swap3A_793 = vector.shape_cast %swap3A_792 : vector<16xi32> to vector<16xi32>
      %swap3A_794 = vector.shape_cast %add3A_790 : vector<16xi32> to vector<16xi32>
      tpu.vector_store %arg17[%swap3A_791], %swap3A_794 {strides = array<i32>} : memref<512xi32, #tpu.memory_space<vmem>>, vector<16xi32>,
      %swap3A_795 = arith.constant 0 : i32
      %swap3A_796 = arith.index_cast %swap3A_795 : i32 to index
      %swap3A_797 = arith.constant 0 : index
      %swap3A_798 = tpu.vector_load %arg18[%swap3A_796, %swap3A_797] {strides = array<i32>} : memref<16x16xf32, #tpu.memory_space<vmem>>, vector<1x16xf32>,
      %swap3A_799 = vector.shape_cast %swap3A_798 : vector<1x16xf32> to vector<16xf32>
      %swap3A_800 = vector.shape_cast %mul3A_405 : vector<16xf32> to vector<1x16xf32>
      tpu.vector_store %arg18[%swap3A_796, %swap3A_797], %swap3A_800 {add = true, strides = array<i32>} : memref<16x16xf32, #tpu.memory_space<vmem>>, vector<1x16xf32>,
      %eq3A_801 = arith.constant 0 : i32
      %eq3A_802 = vector.broadcast %eq3A_801 : i32 to vector<16xi32>
      %eq3A_803 = arith.cmpi eq, %min3A_542, %eq3A_802 : vector<16xi32>
      %jit3A_804 = arith.constant 1.000000e+00 : f32
      %jit3A_805 = arith.constant 0.000000e+00 : f32
      %broadcast_in_dim3A_806 = vector.broadcast %jit3A_804 : f32 to vector<16xf32>
      %broadcast_in_dim3A_807 = vector.broadcast %jit3A_805 : f32 to vector<16xf32>
      %select_n3A_808 = arith.select %eq3A_803, %broadcast_in_dim3A_806, %broadcast_in_dim3A_807 : vector<16xi1>, vector<16xf32>
      %eq3A_809 = arith.constant 0 : i32
      %eq3A_810 = vector.broadcast %eq3A_809 : i32 to vector<16xi32>
      %eq3A_811 = arith.cmpi eq, %min3A_764, %eq3A_810 : vector<16xi32>
      %jit3A_812 = arith.constant 1.000000e+00 : f32
      %jit3A_813 = arith.constant 0.000000e+00 : f32
      %broadcast_in_dim3A_814 = vector.broadcast %jit3A_812 : f32 to vector<16xf32>
      %broadcast_in_dim3A_815 = vector.broadcast %jit3A_813 : f32 to vector<16xf32>
      %select_n3A_816 = arith.select %eq3A_811, %broadcast_in_dim3A_814, %broadcast_in_dim3A_815 : vector<16xi1>, vector<16xf32>
      %add3A_817 = arith.addf %select_n3A_808, %select_n3A_816 : vector<16xf32>
      %swap3A_818 = arith.constant 0 : i32
      %swap3A_819 = arith.index_cast %swap3A_818 : i32 to index
      %swap3A_820 = arith.constant 0 : index
      %swap3A_821 = tpu.vector_load %arg19[%swap3A_819, %swap3A_820] {strides = array<i32>} : memref<16x16xf32, #tpu.memory_space<vmem>>, vector<1x16xf32>,
      %swap3A_822 = vector.shape_cast %swap3A_821 : vector<1x16xf32> to vector<16xf32>
      %swap3A_823 = vector.shape_cast %add3A_817 : vector<16xf32> to vector<1x16xf32>
      tpu.vector_store %arg19[%swap3A_819, %swap3A_820], %swap3A_823 {add = true, strides = array<i32>} : memref<16x16xf32, #tpu.memory_space<vmem>>, vector<1x16xf32>,
      %swap3A_824 = arith.constant 1 : i32
      %swap3A_825 = arith.index_cast %swap3A_824 : i32 to index
      %swap3A_826 = arith.constant 0 : index
      %swap3A_827 = tpu.vector_load %arg18[%swap3A_825, %swap3A_826] {strides = array<i32>} : memref<16x16xf32, #tpu.memory_space<vmem>>, vector<1x16xf32>,
      %swap3A_828 = vector.shape_cast %swap3A_827 : vector<1x16xf32> to vector<16xf32>
      %swap3A_829 = vector.shape_cast %mul3A_406 : vector<16xf32> to vector<1x16xf32>
      tpu.vector_store %arg18[%swap3A_825, %swap3A_826], %swap3A_829 {add = true, strides = array<i32>} : memref<16x16xf32, #tpu.memory_space<vmem>>, vector<1x16xf32>,
      %eq3A_830 = arith.constant 1 : i32
      %eq3A_831 = vector.broadcast %eq3A_830 : i32 to vector<16xi32>
      %eq3A_832 = arith.cmpi eq, %min3A_542, %eq3A_831 : vector<16xi32>
      %jit3A_833 = arith.constant 1.000000e+00 : f32
      %jit3A_834 = arith.constant 0.000000e+00 : f32
      %broadcast_in_dim3A_835 = vector.broadcast %jit3A_833 : f32 to vector<16xf32>
      %broadcast_in_dim3A_836 = vector.broadcast %jit3A_834 : f32 to vector<16xf32>
      %select_n3A_837 = arith.select %eq3A_832, %broadcast_in_dim3A_835, %broadcast_in_dim3A_836 : vector<16xi1>, vector<16xf32>
      %eq3A_838 = arith.constant 1 : i32
      %eq3A_839 = vector.broadcast %eq3A_838 : i32 to vector<16xi32>
      %eq3A_840 = arith.cmpi eq, %min3A_764, %eq3A_839 : vector<16xi32>
      %jit3A_841 = arith.constant 1.000000e+00 : f32
      %jit3A_842 = arith.constant 0.000000e+00 : f32
      %broadcast_in_dim3A_843 = vector.broadcast %jit3A_841 : f32 to vector<16xf32>
      %broadcast_in_dim3A_844 = vector.broadcast %jit3A_842 : f32 to vector<16xf32>
      %select_n3A_845 = arith.select %eq3A_840, %broadcast_in_dim3A_843, %broadcast_in_dim3A_844 : vector<16xi1>, vector<16xf32>
      %add3A_846 = arith.addf %select_n3A_837, %select_n3A_845 : vector<16xf32>
      %swap3A_847 = arith.constant 1 : i32
      %swap3A_848 = arith.index_cast %swap3A_847 : i32 to index
      %swap3A_849 = arith.constant 0 : index
      %swap3A_850 = tpu.vector_load %arg19[%swap3A_848, %swap3A_849] {strides = array<i32>} : memref<16x16xf32, #tpu.memory_space<vmem>>, vector<1x16xf32>,
      %swap3A_851 = vector.shape_cast %swap3A_850 : vector<1x16xf32> to vector<16xf32>
      %swap3A_852 = vector.shape_cast %add3A_846 : vector<16xf32> to vector<1x16xf32>
      tpu.vector_store %arg19[%swap3A_848, %swap3A_849], %swap3A_852 {add = true, strides = array<i32>} : memref<16x16xf32, #tpu.memory_space<vmem>>, vector<1x16xf32>,
      %swap3A_853 = arith.constant 2 : i32
      %swap3A_854 = arith.index_cast %swap3A_853 : i32 to index
      %swap3A_855 = arith.constant 0 : index
      %swap3A_856 = tpu.vector_load %arg18[%swap3A_854, %swap3A_855] {strides = array<i32>} : memref<16x16xf32, #tpu.memory_space<vmem>>, vector<1x16xf32>,
      %swap3A_857 = vector.shape_cast %swap3A_856 : vector<1x16xf32> to vector<16xf32>
      %swap3A_858 = vector.shape_cast %mul3A_407 : vector<16xf32> to vector<1x16xf32>
      tpu.vector_store %arg18[%swap3A_854, %swap3A_855], %swap3A_858 {add = true, strides = array<i32>} : memref<16x16xf32, #tpu.memory_space<vmem>>, vector<1x16xf32>,
      %eq3A_859 = arith.constant 2 : i32
      %eq3A_860 = vector.broadcast %eq3A_859 : i32 to vector<16xi32>
      %eq3A_861 = arith.cmpi eq, %min3A_542, %eq3A_860 : vector<16xi32>
      %jit3A_862 = arith.constant 1.000000e+00 : f32
      %jit3A_863 = arith.constant 0.000000e+00 : f32
      %broadcast_in_dim3A_864 = vector.broadcast %jit3A_862 : f32 to vector<16xf32>
      %broadcast_in_dim3A_865 = vector.broadcast %jit3A_863 : f32 to vector<16xf32>
      %select_n3A_866 = arith.select %eq3A_861, %broadcast_in_dim3A_864, %broadcast_in_dim3A_865 : vector<16xi1>, vector<16xf32>
      %eq3A_867 = arith.constant 2 : i32
      %eq3A_868 = vector.broadcast %eq3A_867 : i32 to vector<16xi32>
      %eq3A_869 = arith.cmpi eq, %min3A_764, %eq3A_868 : vector<16xi32>
      %jit3A_870 = arith.constant 1.000000e+00 : f32
      %jit3A_871 = arith.constant 0.000000e+00 : f32
      %broadcast_in_dim3A_872 = vector.broadcast %jit3A_870 : f32 to vector<16xf32>
      %broadcast_in_dim3A_873 = vector.broadcast %jit3A_871 : f32 to vector<16xf32>
      %select_n3A_874 = arith.select %eq3A_869, %broadcast_in_dim3A_872, %broadcast_in_dim3A_873 : vector<16xi1>, vector<16xf32>
      %add3A_875 = arith.addf %select_n3A_866, %select_n3A_874 : vector<16xf32>
      %swap3A_876 = arith.constant 2 : i32
      %swap3A_877 = arith.index_cast %swap3A_876 : i32 to index
      %swap3A_878 = arith.constant 0 : index
      %swap3A_879 = tpu.vector_load %arg19[%swap3A_877, %swap3A_878] {strides = array<i32>} : memref<16x16xf32, #tpu.memory_space<vmem>>, vector<1x16xf32>,
      %swap3A_880 = vector.shape_cast %swap3A_879 : vector<1x16xf32> to vector<16xf32>
      %swap3A_881 = vector.shape_cast %add3A_875 : vector<16xf32> to vector<1x16xf32>
      tpu.vector_store %arg19[%swap3A_877, %swap3A_878], %swap3A_881 {add = true, strides = array<i32>} : memref<16x16xf32, #tpu.memory_space<vmem>>, vector<1x16xf32>,
      %swap3A_882 = arith.constant 3 : i32
      %swap3A_883 = arith.index_cast %swap3A_882 : i32 to index
      %swap3A_884 = arith.constant 0 : index
      %swap3A_885 = tpu.vector_load %arg18[%swap3A_883, %swap3A_884] {strides = array<i32>} : memref<16x16xf32, #tpu.memory_space<vmem>>, vector<1x16xf32>,
      %swap3A_886 = vector.shape_cast %swap3A_885 : vector<1x16xf32> to vector<16xf32>
      %swap3A_887 = vector.shape_cast %mul3A_408 : vector<16xf32> to vector<1x16xf32>
      tpu.vector_store %arg18[%swap3A_883, %swap3A_884], %swap3A_887 {add = true, strides = array<i32>} : memref<16x16xf32, #tpu.memory_space<vmem>>, vector<1x16xf32>,
      %eq3A_888 = arith.constant 3 : i32
      %eq3A_889 = vector.broadcast %eq3A_888 : i32 to vector<16xi32>
      %eq3A_890 = arith.cmpi eq, %min3A_542, %eq3A_889 : vector<16xi32>
      %jit3A_891 = arith.constant 1.000000e+00 : f32
      %jit3A_892 = arith.constant 0.000000e+00 : f32
      %broadcast_in_dim3A_893 = vector.broadcast %jit3A_891 : f32 to vector<16xf32>
      %broadcast_in_dim3A_894 = vector.broadcast %jit3A_892 : f32 to vector<16xf32>
      %select_n3A_895 = arith.select %eq3A_890, %broadcast_in_dim3A_893, %broadcast_in_dim3A_894 : vector<16xi1>, vector<16xf32>
      %eq3A_896 = arith.constant 3 : i32
      %eq3A_897 = vector.broadcast %eq3A_896 : i32 to vector<16xi32>
      %eq3A_898 = arith.cmpi eq, %min3A_764, %eq3A_897 : vector<16xi32>
      %jit3A_899 = arith.constant 1.000000e+00 : f32
      %jit3A_900 = arith.constant 0.000000e+00 : f32
      %broadcast_in_dim3A_901 = vector.broadcast %jit3A_899 : f32 to vector<16xf32>
      %broadcast_in_dim3A_902 = vector.broadcast %jit3A_900 : f32 to vector<16xf32>
      %select_n3A_903 = arith.select %eq3A_898, %broadcast_in_dim3A_901, %broadcast_in_dim3A_902 : vector<16xi1>, vector<16xf32>
      %add3A_904 = arith.addf %select_n3A_895, %select_n3A_903 : vector<16xf32>
      %swap3A_905 = arith.constant 3 : i32
      %swap3A_906 = arith.index_cast %swap3A_905 : i32 to index
      %swap3A_907 = arith.constant 0 : index
      %swap3A_908 = tpu.vector_load %arg19[%swap3A_906, %swap3A_907] {strides = array<i32>} : memref<16x16xf32, #tpu.memory_space<vmem>>, vector<1x16xf32>,
      %swap3A_909 = vector.shape_cast %swap3A_908 : vector<1x16xf32> to vector<16xf32>
      %swap3A_910 = vector.shape_cast %add3A_904 : vector<16xf32> to vector<1x16xf32>
      tpu.vector_store %arg19[%swap3A_906, %swap3A_907], %swap3A_910 {add = true, strides = array<i32>} : memref<16x16xf32, #tpu.memory_space<vmem>>, vector<1x16xf32>,
      %swap3A_911 = arith.constant 4 : i32
      %swap3A_912 = arith.index_cast %swap3A_911 : i32 to index
      %swap3A_913 = arith.constant 0 : index
      %swap3A_914 = tpu.vector_load %arg18[%swap3A_912, %swap3A_913] {strides = array<i32>} : memref<16x16xf32, #tpu.memory_space<vmem>>, vector<1x16xf32>,
      %swap3A_915 = vector.shape_cast %swap3A_914 : vector<1x16xf32> to vector<16xf32>
      %swap3A_916 = vector.shape_cast %mul3A_409 : vector<16xf32> to vector<1x16xf32>
      tpu.vector_store %arg18[%swap3A_912, %swap3A_913], %swap3A_916 {add = true, strides = array<i32>} : memref<16x16xf32, #tpu.memory_space<vmem>>, vector<1x16xf32>,
      %eq3A_917 = arith.constant 4 : i32
      %eq3A_918 = vector.broadcast %eq3A_917 : i32 to vector<16xi32>
      %eq3A_919 = arith.cmpi eq, %min3A_542, %eq3A_918 : vector<16xi32>
      %jit3A_920 = arith.constant 1.000000e+00 : f32
      %jit3A_921 = arith.constant 0.000000e+00 : f32
      %broadcast_in_dim3A_922 = vector.broadcast %jit3A_920 : f32 to vector<16xf32>
      %broadcast_in_dim3A_923 = vector.broadcast %jit3A_921 : f32 to vector<16xf32>
      %select_n3A_924 = arith.select %eq3A_919, %broadcast_in_dim3A_922, %broadcast_in_dim3A_923 : vector<16xi1>, vector<16xf32>
      %eq3A_925 = arith.constant 4 : i32
      %eq3A_926 = vector.broadcast %eq3A_925 : i32 to vector<16xi32>
      %eq3A_927 = arith.cmpi eq, %min3A_764, %eq3A_926 : vector<16xi32>
      %jit3A_928 = arith.constant 1.000000e+00 : f32
      %jit3A_929 = arith.constant 0.000000e+00 : f32
      %broadcast_in_dim3A_930 = vector.broadcast %jit3A_928 : f32 to vector<16xf32>
      %broadcast_in_dim3A_931 = vector.broadcast %jit3A_929 : f32 to vector<16xf32>
      %select_n3A_932 = arith.select %eq3A_927, %broadcast_in_dim3A_930, %broadcast_in_dim3A_931 : vector<16xi1>, vector<16xf32>
      %add3A_933 = arith.addf %select_n3A_924, %select_n3A_932 : vector<16xf32>
      %swap3A_934 = arith.constant 4 : i32
      %swap3A_935 = arith.index_cast %swap3A_934 : i32 to index
      %swap3A_936 = arith.constant 0 : index
      %swap3A_937 = tpu.vector_load %arg19[%swap3A_935, %swap3A_936] {strides = array<i32>} : memref<16x16xf32, #tpu.memory_space<vmem>>, vector<1x16xf32>,
      %swap3A_938 = vector.shape_cast %swap3A_937 : vector<1x16xf32> to vector<16xf32>
      %swap3A_939 = vector.shape_cast %add3A_933 : vector<16xf32> to vector<1x16xf32>
      tpu.vector_store %arg19[%swap3A_935, %swap3A_936], %swap3A_939 {add = true, strides = array<i32>} : memref<16x16xf32, #tpu.memory_space<vmem>>, vector<1x16xf32>,
      %swap3A_940 = arith.constant 5 : i32
      %swap3A_941 = arith.index_cast %swap3A_940 : i32 to index
      %swap3A_942 = arith.constant 0 : index
      %swap3A_943 = tpu.vector_load %arg18[%swap3A_941, %swap3A_942] {strides = array<i32>} : memref<16x16xf32, #tpu.memory_space<vmem>>, vector<1x16xf32>,
      %swap3A_944 = vector.shape_cast %swap3A_943 : vector<1x16xf32> to vector<16xf32>
      %swap3A_945 = vector.shape_cast %mul3A_410 : vector<16xf32> to vector<1x16xf32>
      tpu.vector_store %arg18[%swap3A_941, %swap3A_942], %swap3A_945 {add = true, strides = array<i32>} : memref<16x16xf32, #tpu.memory_space<vmem>>, vector<1x16xf32>,
      %eq3A_946 = arith.constant 5 : i32
      %eq3A_947 = vector.broadcast %eq3A_946 : i32 to vector<16xi32>
      %eq3A_948 = arith.cmpi eq, %min3A_542, %eq3A_947 : vector<16xi32>
      %jit3A_949 = arith.constant 1.000000e+00 : f32
      %jit3A_950 = arith.constant 0.000000e+00 : f32
      %broadcast_in_dim3A_951 = vector.broadcast %jit3A_949 : f32 to vector<16xf32>
      %broadcast_in_dim3A_952 = vector.broadcast %jit3A_950 : f32 to vector<16xf32>
      %select_n3A_953 = arith.select %eq3A_948, %broadcast_in_dim3A_951, %broadcast_in_dim3A_952 : vector<16xi1>, vector<16xf32>
      %eq3A_954 = arith.constant 5 : i32
      %eq3A_955 = vector.broadcast %eq3A_954 : i32 to vector<16xi32>
      %eq3A_956 = arith.cmpi eq, %min3A_764, %eq3A_955 : vector<16xi32>
      %jit3A_957 = arith.constant 1.000000e+00 : f32
      %jit3A_958 = arith.constant 0.000000e+00 : f32
      %broadcast_in_dim3A_959 = vector.broadcast %jit3A_957 : f32 to vector<16xf32>
      %broadcast_in_dim3A_960 = vector.broadcast %jit3A_958 : f32 to vector<16xf32>
      %select_n3A_961 = arith.select %eq3A_956, %broadcast_in_dim3A_959, %broadcast_in_dim3A_960 : vector<16xi1>, vector<16xf32>
      %add3A_962 = arith.addf %select_n3A_953, %select_n3A_961 : vector<16xf32>
      %swap3A_963 = arith.constant 5 : i32
      %swap3A_964 = arith.index_cast %swap3A_963 : i32 to index
      %swap3A_965 = arith.constant 0 : index
      %swap3A_966 = tpu.vector_load %arg19[%swap3A_964, %swap3A_965] {strides = array<i32>} : memref<16x16xf32, #tpu.memory_space<vmem>>, vector<1x16xf32>,
      %swap3A_967 = vector.shape_cast %swap3A_966 : vector<1x16xf32> to vector<16xf32>
      %swap3A_968 = vector.shape_cast %add3A_962 : vector<16xf32> to vector<1x16xf32>
      tpu.vector_store %arg19[%swap3A_964, %swap3A_965], %swap3A_968 {add = true, strides = array<i32>} : memref<16x16xf32, #tpu.memory_space<vmem>>, vector<1x16xf32>,
      %swap3A_969 = arith.constant 6 : i32
      %swap3A_970 = arith.index_cast %swap3A_969 : i32 to index
      %swap3A_971 = arith.constant 0 : index
      %swap3A_972 = tpu.vector_load %arg18[%swap3A_970, %swap3A_971] {strides = array<i32>} : memref<16x16xf32, #tpu.memory_space<vmem>>, vector<1x16xf32>,
      %swap3A_973 = vector.shape_cast %swap3A_972 : vector<1x16xf32> to vector<16xf32>
      %swap3A_974 = vector.shape_cast %mul3A_411 : vector<16xf32> to vector<1x16xf32>
      tpu.vector_store %arg18[%swap3A_970, %swap3A_971], %swap3A_974 {add = true, strides = array<i32>} : memref<16x16xf32, #tpu.memory_space<vmem>>, vector<1x16xf32>,
      %eq3A_975 = arith.constant 6 : i32
      %eq3A_976 = vector.broadcast %eq3A_975 : i32 to vector<16xi32>
      %eq3A_977 = arith.cmpi eq, %min3A_542, %eq3A_976 : vector<16xi32>
      %jit3A_978 = arith.constant 1.000000e+00 : f32
      %jit3A_979 = arith.constant 0.000000e+00 : f32
      %broadcast_in_dim3A_980 = vector.broadcast %jit3A_978 : f32 to vector<16xf32>
      %broadcast_in_dim3A_981 = vector.broadcast %jit3A_979 : f32 to vector<16xf32>
      %select_n3A_982 = arith.select %eq3A_977, %broadcast_in_dim3A_980, %broadcast_in_dim3A_981 : vector<16xi1>, vector<16xf32>
      %eq3A_983 = arith.constant 6 : i32
      %eq3A_984 = vector.broadcast %eq3A_983 : i32 to vector<16xi32>
      %eq3A_985 = arith.cmpi eq, %min3A_764, %eq3A_984 : vector<16xi32>
      %jit3A_986 = arith.constant 1.000000e+00 : f32
      %jit3A_987 = arith.constant 0.000000e+00 : f32
      %broadcast_in_dim3A_988 = vector.broadcast %jit3A_986 : f32 to vector<16xf32>
      %broadcast_in_dim3A_989 = vector.broadcast %jit3A_987 : f32 to vector<16xf32>
      %select_n3A_990 = arith.select %eq3A_985, %broadcast_in_dim3A_988, %broadcast_in_dim3A_989 : vector<16xi1>, vector<16xf32>
      %add3A_991 = arith.addf %select_n3A_982, %select_n3A_990 : vector<16xf32>
      %swap3A_992 = arith.constant 6 : i32
      %swap3A_993 = arith.index_cast %swap3A_992 : i32 to index
      %swap3A_994 = arith.constant 0 : index
      %swap3A_995 = tpu.vector_load %arg19[%swap3A_993, %swap3A_994] {strides = array<i32>} : memref<16x16xf32, #tpu.memory_space<vmem>>, vector<1x16xf32>,
      %swap3A_996 = vector.shape_cast %swap3A_995 : vector<1x16xf32> to vector<16xf32>
      %swap3A_997 = vector.shape_cast %add3A_991 : vector<16xf32> to vector<1x16xf32>
      tpu.vector_store %arg19[%swap3A_993, %swap3A_994], %swap3A_997 {add = true, strides = array<i32>} : memref<16x16xf32, #tpu.memory_space<vmem>>, vector<1x16xf32>,
      %swap3A_998 = arith.constant 7 : i32
      %swap3A_999 = arith.index_cast %swap3A_998 : i32 to index
      %swap3A_1000 = arith.constant 0 : index
      %swap3A_1001 = tpu.vector_load %arg18[%swap3A_999, %swap3A_1000] {strides = array<i32>} : memref<16x16xf32, #tpu.memory_space<vmem>>, vector<1x16xf32>,
      %swap3A_1002 = vector.shape_cast %swap3A_1001 : vector<1x16xf32> to vector<16xf32>
      %swap3A_1003 = vector.shape_cast %mul3A_412 : vector<16xf32> to vector<1x16xf32>
      tpu.vector_store %arg18[%swap3A_999, %swap3A_1000], %swap3A_1003 {add = true, strides = array<i32>} : memref<16x16xf32, #tpu.memory_space<vmem>>, vector<1x16xf32>,
      %eq3A_1004 = arith.constant 7 : i32
      %eq3A_1005 = vector.broadcast %eq3A_1004 : i32 to vector<16xi32>
      %eq3A_1006 = arith.cmpi eq, %min3A_542, %eq3A_1005 : vector<16xi32>
      %jit3A_1007 = arith.constant 1.000000e+00 : f32
      %jit3A_1008 = arith.constant 0.000000e+00 : f32
      %broadcast_in_dim3A_1009 = vector.broadcast %jit3A_1007 : f32 to vector<16xf32>
      %broadcast_in_dim3A_1010 = vector.broadcast %jit3A_1008 : f32 to vector<16xf32>
      %select_n3A_1011 = arith.select %eq3A_1006, %broadcast_in_dim3A_1009, %broadcast_in_dim3A_1010 : vector<16xi1>, vector<16xf32>
      %eq3A_1012 = arith.constant 7 : i32
      %eq3A_1013 = vector.broadcast %eq3A_1012 : i32 to vector<16xi32>
      %eq3A_1014 = arith.cmpi eq, %min3A_764, %eq3A_1013 : vector<16xi32>
      %jit3A_1015 = arith.constant 1.000000e+00 : f32
      %jit3A_1016 = arith.constant 0.000000e+00 : f32
      %broadcast_in_dim3A_1017 = vector.broadcast %jit3A_1015 : f32 to vector<16xf32>
      %broadcast_in_dim3A_1018 = vector.broadcast %jit3A_1016 : f32 to vector<16xf32>
      %select_n3A_1019 = arith.select %eq3A_1014, %broadcast_in_dim3A_1017, %broadcast_in_dim3A_1018 : vector<16xi1>, vector<16xf32>
      %add3A_1020 = arith.addf %select_n3A_1011, %select_n3A_1019 : vector<16xf32>
      %swap3A_1021 = arith.constant 7 : i32
      %swap3A_1022 = arith.index_cast %swap3A_1021 : i32 to index
      %swap3A_1023 = arith.constant 0 : index
      %swap3A_1024 = tpu.vector_load %arg19[%swap3A_1022, %swap3A_1023] {strides = array<i32>} : memref<16x16xf32, #tpu.memory_space<vmem>>, vector<1x16xf32>,
      %swap3A_1025 = vector.shape_cast %swap3A_1024 : vector<1x16xf32> to vector<16xf32>
      %swap3A_1026 = vector.shape_cast %add3A_1020 : vector<16xf32> to vector<1x16xf32>
      tpu.vector_store %arg19[%swap3A_1022, %swap3A_1023], %swap3A_1026 {add = true, strides = array<i32>} : memref<16x16xf32, #tpu.memory_space<vmem>>, vector<1x16xf32>,
      %swap3A_1027 = arith.constant 8 : i32
      %swap3A_1028 = arith.index_cast %swap3A_1027 : i32 to index
      %swap3A_1029 = arith.constant 0 : index
      %swap3A_1030 = tpu.vector_load %arg18[%swap3A_1028, %swap3A_1029] {strides = array<i32>} : memref<16x16xf32, #tpu.memory_space<vmem>>, vector<1x16xf32>,
      %swap3A_1031 = vector.shape_cast %swap3A_1030 : vector<1x16xf32> to vector<16xf32>
      %swap3A_1032 = vector.shape_cast %mul3A_413 : vector<16xf32> to vector<1x16xf32>
      tpu.vector_store %arg18[%swap3A_1028, %swap3A_1029], %swap3A_1032 {add = true, strides = array<i32>} : memref<16x16xf32, #tpu.memory_space<vmem>>, vector<1x16xf32>,
      %eq3A_1033 = arith.constant 8 : i32
      %eq3A_1034 = vector.broadcast %eq3A_1033 : i32 to vector<16xi32>
      %eq3A_1035 = arith.cmpi eq, %min3A_542, %eq3A_1034 : vector<16xi32>
      %jit3A_1036 = arith.constant 1.000000e+00 : f32
      %jit3A_1037 = arith.constant 0.000000e+00 : f32
      %broadcast_in_dim3A_1038 = vector.broadcast %jit3A_1036 : f32 to vector<16xf32>
      %broadcast_in_dim3A_1039 = vector.broadcast %jit3A_1037 : f32 to vector<16xf32>
      %select_n3A_1040 = arith.select %eq3A_1035, %broadcast_in_dim3A_1038, %broadcast_in_dim3A_1039 : vector<16xi1>, vector<16xf32>
      %eq3A_1041 = arith.constant 8 : i32
      %eq3A_1042 = vector.broadcast %eq3A_1041 : i32 to vector<16xi32>
      %eq3A_1043 = arith.cmpi eq, %min3A_764, %eq3A_1042 : vector<16xi32>
      %jit3A_1044 = arith.constant 1.000000e+00 : f32
      %jit3A_1045 = arith.constant 0.000000e+00 : f32
      %broadcast_in_dim3A_1046 = vector.broadcast %jit3A_1044 : f32 to vector<16xf32>
      %broadcast_in_dim3A_1047 = vector.broadcast %jit3A_1045 : f32 to vector<16xf32>
      %select_n3A_1048 = arith.select %eq3A_1043, %broadcast_in_dim3A_1046, %broadcast_in_dim3A_1047 : vector<16xi1>, vector<16xf32>
      %add3A_1049 = arith.addf %select_n3A_1040, %select_n3A_1048 : vector<16xf32>
      %swap3A_1050 = arith.constant 8 : i32
      %swap3A_1051 = arith.index_cast %swap3A_1050 : i32 to index
      %swap3A_1052 = arith.constant 0 : index
      %swap3A_1053 = tpu.vector_load %arg19[%swap3A_1051, %swap3A_1052] {strides = array<i32>} : memref<16x16xf32, #tpu.memory_space<vmem>>, vector<1x16xf32>,
      %swap3A_1054 = vector.shape_cast %swap3A_1053 : vector<1x16xf32> to vector<16xf32>
      %swap3A_1055 = vector.shape_cast %add3A_1049 : vector<16xf32> to vector<1x16xf32>
      tpu.vector_store %arg19[%swap3A_1051, %swap3A_1052], %swap3A_1055 {add = true, strides = array<i32>} : memref<16x16xf32, #tpu.memory_space<vmem>>, vector<1x16xf32>,
      %swap3A_1056 = arith.constant 9 : i32
      %swap3A_1057 = arith.index_cast %swap3A_1056 : i32 to index
      %swap3A_1058 = arith.constant 0 : index
      %swap3A_1059 = tpu.vector_load %arg18[%swap3A_1057, %swap3A_1058] {strides = array<i32>} : memref<16x16xf32, #tpu.memory_space<vmem>>, vector<1x16xf32>,
      %swap3A_1060 = vector.shape_cast %swap3A_1059 : vector<1x16xf32> to vector<16xf32>
      %swap3A_1061 = vector.shape_cast %mul3A_414 : vector<16xf32> to vector<1x16xf32>
      tpu.vector_store %arg18[%swap3A_1057, %swap3A_1058], %swap3A_1061 {add = true, strides = array<i32>} : memref<16x16xf32, #tpu.memory_space<vmem>>, vector<1x16xf32>,
      %eq3A_1062 = arith.constant 9 : i32
      %eq3A_1063 = vector.broadcast %eq3A_1062 : i32 to vector<16xi32>
      %eq3A_1064 = arith.cmpi eq, %min3A_542, %eq3A_1063 : vector<16xi32>
      %jit3A_1065 = arith.constant 1.000000e+00 : f32
      %jit3A_1066 = arith.constant 0.000000e+00 : f32
      %broadcast_in_dim3A_1067 = vector.broadcast %jit3A_1065 : f32 to vector<16xf32>
      %broadcast_in_dim3A_1068 = vector.broadcast %jit3A_1066 : f32 to vector<16xf32>
      %select_n3A_1069 = arith.select %eq3A_1064, %broadcast_in_dim3A_1067, %broadcast_in_dim3A_1068 : vector<16xi1>, vector<16xf32>
      %eq3A_1070 = arith.constant 9 : i32
      %eq3A_1071 = vector.broadcast %eq3A_1070 : i32 to vector<16xi32>
      %eq3A_1072 = arith.cmpi eq, %min3A_764, %eq3A_1071 : vector<16xi32>
      %jit3A_1073 = arith.constant 1.000000e+00 : f32
      %jit3A_1074 = arith.constant 0.000000e+00 : f32
      %broadcast_in_dim3A_1075 = vector.broadcast %jit3A_1073 : f32 to vector<16xf32>
      %broadcast_in_dim3A_1076 = vector.broadcast %jit3A_1074 : f32 to vector<16xf32>
      %select_n3A_1077 = arith.select %eq3A_1072, %broadcast_in_dim3A_1075, %broadcast_in_dim3A_1076 : vector<16xi1>, vector<16xf32>
      %add3A_1078 = arith.addf %select_n3A_1069, %select_n3A_1077 : vector<16xf32>
      %swap3A_1079 = arith.constant 9 : i32
      %swap3A_1080 = arith.index_cast %swap3A_1079 : i32 to index
      %swap3A_1081 = arith.constant 0 : index
      %swap3A_1082 = tpu.vector_load %arg19[%swap3A_1080, %swap3A_1081] {strides = array<i32>} : memref<16x16xf32, #tpu.memory_space<vmem>>, vector<1x16xf32>,
      %swap3A_1083 = vector.shape_cast %swap3A_1082 : vector<1x16xf32> to vector<16xf32>
      %swap3A_1084 = vector.shape_cast %add3A_1078 : vector<16xf32> to vector<1x16xf32>
      tpu.vector_store %arg19[%swap3A_1080, %swap3A_1081], %swap3A_1084 {add = true, strides = array<i32>} : memref<16x16xf32, #tpu.memory_space<vmem>>, vector<1x16xf32>,
      %swap3A_1085 = arith.constant 10 : i32
      %swap3A_1086 = arith.index_cast %swap3A_1085 : i32 to index
      %swap3A_1087 = arith.constant 0 : index
      %swap3A_1088 = tpu.vector_load %arg18[%swap3A_1086, %swap3A_1087] {strides = array<i32>} : memref<16x16xf32, #tpu.memory_space<vmem>>, vector<1x16xf32>,
      %swap3A_1089 = vector.shape_cast %swap3A_1088 : vector<1x16xf32> to vector<16xf32>
      %swap3A_1090 = vector.shape_cast %mul3A_415 : vector<16xf32> to vector<1x16xf32>
      tpu.vector_store %arg18[%swap3A_1086, %swap3A_1087], %swap3A_1090 {add = true, strides = array<i32>} : memref<16x16xf32, #tpu.memory_space<vmem>>, vector<1x16xf32>,
      %eq3A_1091 = arith.constant 10 : i32
      %eq3A_1092 = vector.broadcast %eq3A_1091 : i32 to vector<16xi32>
      %eq3A_1093 = arith.cmpi eq, %min3A_542, %eq3A_1092 : vector<16xi32>
      %jit3A_1094 = arith.constant 1.000000e+00 : f32
      %jit3A_1095 = arith.constant 0.000000e+00 : f32
      %broadcast_in_dim3A_1096 = vector.broadcast %jit3A_1094 : f32 to vector<16xf32>
      %broadcast_in_dim3A_1097 = vector.broadcast %jit3A_1095 : f32 to vector<16xf32>
      %select_n3A_1098 = arith.select %eq3A_1093, %broadcast_in_dim3A_1096, %broadcast_in_dim3A_1097 : vector<16xi1>, vector<16xf32>
      %eq3A_1099 = arith.constant 10 : i32
      %eq3A_1100 = vector.broadcast %eq3A_1099 : i32 to vector<16xi32>
      %eq3A_1101 = arith.cmpi eq, %min3A_764, %eq3A_1100 : vector<16xi32>
      %jit3A_1102 = arith.constant 1.000000e+00 : f32
      %jit3A_1103 = arith.constant 0.000000e+00 : f32
      %broadcast_in_dim3A_1104 = vector.broadcast %jit3A_1102 : f32 to vector<16xf32>
      %broadcast_in_dim3A_1105 = vector.broadcast %jit3A_1103 : f32 to vector<16xf32>
      %select_n3A_1106 = arith.select %eq3A_1101, %broadcast_in_dim3A_1104, %broadcast_in_dim3A_1105 : vector<16xi1>, vector<16xf32>
      %add3A_1107 = arith.addf %select_n3A_1098, %select_n3A_1106 : vector<16xf32>
      %swap3A_1108 = arith.constant 10 : i32
      %swap3A_1109 = arith.index_cast %swap3A_1108 : i32 to index
      %swap3A_1110 = arith.constant 0 : index
      %swap3A_1111 = tpu.vector_load %arg19[%swap3A_1109, %swap3A_1110] {strides = array<i32>} : memref<16x16xf32, #tpu.memory_space<vmem>>, vector<1x16xf32>,
      %swap3A_1112 = vector.shape_cast %swap3A_1111 : vector<1x16xf32> to vector<16xf32>
      %swap3A_1113 = vector.shape_cast %add3A_1107 : vector<16xf32> to vector<1x16xf32>
      tpu.vector_store %arg19[%swap3A_1109, %swap3A_1110], %swap3A_1113 {add = true, strides = array<i32>} : memref<16x16xf32, #tpu.memory_space<vmem>>, vector<1x16xf32>,
      %swap3A_1114 = arith.constant 11 : i32
      %swap3A_1115 = arith.index_cast %swap3A_1114 : i32 to index
      %swap3A_1116 = arith.constant 0 : index
      %swap3A_1117 = tpu.vector_load %arg18[%swap3A_1115, %swap3A_1116] {strides = array<i32>} : memref<16x16xf32, #tpu.memory_space<vmem>>, vector<1x16xf32>,
      %swap3A_1118 = vector.shape_cast %swap3A_1117 : vector<1x16xf32> to vector<16xf32>
      %swap3A_1119 = vector.shape_cast %mul3A_416 : vector<16xf32> to vector<1x16xf32>
      tpu.vector_store %arg18[%swap3A_1115, %swap3A_1116], %swap3A_1119 {add = true, strides = array<i32>} : memref<16x16xf32, #tpu.memory_space<vmem>>, vector<1x16xf32>,
      %eq3A_1120 = arith.constant 11 : i32
      %eq3A_1121 = vector.broadcast %eq3A_1120 : i32 to vector<16xi32>
      %eq3A_1122 = arith.cmpi eq, %min3A_542, %eq3A_1121 : vector<16xi32>
      %jit3A_1123 = arith.constant 1.000000e+00 : f32
      %jit3A_1124 = arith.constant 0.000000e+00 : f32
      %broadcast_in_dim3A_1125 = vector.broadcast %jit3A_1123 : f32 to vector<16xf32>
      %broadcast_in_dim3A_1126 = vector.broadcast %jit3A_1124 : f32 to vector<16xf32>
      %select_n3A_1127 = arith.select %eq3A_1122, %broadcast_in_dim3A_1125, %broadcast_in_dim3A_1126 : vector<16xi1>, vector<16xf32>
      %eq3A_1128 = arith.constant 11 : i32
      %eq3A_1129 = vector.broadcast %eq3A_1128 : i32 to vector<16xi32>
      %eq3A_1130 = arith.cmpi eq, %min3A_764, %eq3A_1129 : vector<16xi32>
      %jit3A_1131 = arith.constant 1.000000e+00 : f32
      %jit3A_1132 = arith.constant 0.000000e+00 : f32
      %broadcast_in_dim3A_1133 = vector.broadcast %jit3A_1131 : f32 to vector<16xf32>
      %broadcast_in_dim3A_1134 = vector.broadcast %jit3A_1132 : f32 to vector<16xf32>
      %select_n3A_1135 = arith.select %eq3A_1130, %broadcast_in_dim3A_1133, %broadcast_in_dim3A_1134 : vector<16xi1>, vector<16xf32>
      %add3A_1136 = arith.addf %select_n3A_1127, %select_n3A_1135 : vector<16xf32>
      %swap3A_1137 = arith.constant 11 : i32
      %swap3A_1138 = arith.index_cast %swap3A_1137 : i32 to index
      %swap3A_1139 = arith.constant 0 : index
      %swap3A_1140 = tpu.vector_load %arg19[%swap3A_1138, %swap3A_1139] {strides = array<i32>} : memref<16x16xf32, #tpu.memory_space<vmem>>, vector<1x16xf32>,
      %swap3A_1141 = vector.shape_cast %swap3A_1140 : vector<1x16xf32> to vector<16xf32>
      %swap3A_1142 = vector.shape_cast %add3A_1136 : vector<16xf32> to vector<1x16xf32>
      tpu.vector_store %arg19[%swap3A_1138, %swap3A_1139], %swap3A_1142 {add = true, strides = array<i32>} : memref<16x16xf32, #tpu.memory_space<vmem>>, vector<1x16xf32>,
      %swap3A_1143 = arith.constant 12 : i32
      %swap3A_1144 = arith.index_cast %swap3A_1143 : i32 to index
      %swap3A_1145 = arith.constant 0 : index
      %swap3A_1146 = tpu.vector_load %arg18[%swap3A_1144, %swap3A_1145] {strides = array<i32>} : memref<16x16xf32, #tpu.memory_space<vmem>>, vector<1x16xf32>,
      %swap3A_1147 = vector.shape_cast %swap3A_1146 : vector<1x16xf32> to vector<16xf32>
      %swap3A_1148 = vector.shape_cast %mul3A_417 : vector<16xf32> to vector<1x16xf32>
      tpu.vector_store %arg18[%swap3A_1144, %swap3A_1145], %swap3A_1148 {add = true, strides = array<i32>} : memref<16x16xf32, #tpu.memory_space<vmem>>, vector<1x16xf32>,
      %eq3A_1149 = arith.constant 12 : i32
      %eq3A_1150 = vector.broadcast %eq3A_1149 : i32 to vector<16xi32>
      %eq3A_1151 = arith.cmpi eq, %min3A_542, %eq3A_1150 : vector<16xi32>
      %jit3A_1152 = arith.constant 1.000000e+00 : f32
      %jit3A_1153 = arith.constant 0.000000e+00 : f32
      %broadcast_in_dim3A_1154 = vector.broadcast %jit3A_1152 : f32 to vector<16xf32>
      %broadcast_in_dim3A_1155 = vector.broadcast %jit3A_1153 : f32 to vector<16xf32>
      %select_n3A_1156 = arith.select %eq3A_1151, %broadcast_in_dim3A_1154, %broadcast_in_dim3A_1155 : vector<16xi1>, vector<16xf32>
      %eq3A_1157 = arith.constant 12 : i32
      %eq3A_1158 = vector.broadcast %eq3A_1157 : i32 to vector<16xi32>
      %eq3A_1159 = arith.cmpi eq, %min3A_764, %eq3A_1158 : vector<16xi32>
      %jit3A_1160 = arith.constant 1.000000e+00 : f32
      %jit3A_1161 = arith.constant 0.000000e+00 : f32
      %broadcast_in_dim3A_1162 = vector.broadcast %jit3A_1160 : f32 to vector<16xf32>
      %broadcast_in_dim3A_1163 = vector.broadcast %jit3A_1161 : f32 to vector<16xf32>
      %select_n3A_1164 = arith.select %eq3A_1159, %broadcast_in_dim3A_1162, %broadcast_in_dim3A_1163 : vector<16xi1>, vector<16xf32>
      %add3A_1165 = arith.addf %select_n3A_1156, %select_n3A_1164 : vector<16xf32>
      %swap3A_1166 = arith.constant 12 : i32
      %swap3A_1167 = arith.index_cast %swap3A_1166 : i32 to index
      %swap3A_1168 = arith.constant 0 : index
      %swap3A_1169 = tpu.vector_load %arg19[%swap3A_1167, %swap3A_1168] {strides = array<i32>} : memref<16x16xf32, #tpu.memory_space<vmem>>, vector<1x16xf32>,
      %swap3A_1170 = vector.shape_cast %swap3A_1169 : vector<1x16xf32> to vector<16xf32>
      %swap3A_1171 = vector.shape_cast %add3A_1165 : vector<16xf32> to vector<1x16xf32>
      tpu.vector_store %arg19[%swap3A_1167, %swap3A_1168], %swap3A_1171 {add = true, strides = array<i32>} : memref<16x16xf32, #tpu.memory_space<vmem>>, vector<1x16xf32>,
      %swap3A_1172 = arith.constant 13 : i32
      %swap3A_1173 = arith.index_cast %swap3A_1172 : i32 to index
      %swap3A_1174 = arith.constant 0 : index
      %swap3A_1175 = tpu.vector_load %arg18[%swap3A_1173, %swap3A_1174] {strides = array<i32>} : memref<16x16xf32, #tpu.memory_space<vmem>>, vector<1x16xf32>,
      %swap3A_1176 = vector.shape_cast %swap3A_1175 : vector<1x16xf32> to vector<16xf32>
      %swap3A_1177 = vector.shape_cast %mul3A_418 : vector<16xf32> to vector<1x16xf32>
      tpu.vector_store %arg18[%swap3A_1173, %swap3A_1174], %swap3A_1177 {add = true, strides = array<i32>} : memref<16x16xf32, #tpu.memory_space<vmem>>, vector<1x16xf32>,
      %eq3A_1178 = arith.constant 13 : i32
      %eq3A_1179 = vector.broadcast %eq3A_1178 : i32 to vector<16xi32>
      %eq3A_1180 = arith.cmpi eq, %min3A_542, %eq3A_1179 : vector<16xi32>
      %jit3A_1181 = arith.constant 1.000000e+00 : f32
      %jit3A_1182 = arith.constant 0.000000e+00 : f32
      %broadcast_in_dim3A_1183 = vector.broadcast %jit3A_1181 : f32 to vector<16xf32>
      %broadcast_in_dim3A_1184 = vector.broadcast %jit3A_1182 : f32 to vector<16xf32>
      %select_n3A_1185 = arith.select %eq3A_1180, %broadcast_in_dim3A_1183, %broadcast_in_dim3A_1184 : vector<16xi1>, vector<16xf32>
      %eq3A_1186 = arith.constant 13 : i32
      %eq3A_1187 = vector.broadcast %eq3A_1186 : i32 to vector<16xi32>
      %eq3A_1188 = arith.cmpi eq, %min3A_764, %eq3A_1187 : vector<16xi32>
      %jit3A_1189 = arith.constant 1.000000e+00 : f32
      %jit3A_1190 = arith.constant 0.000000e+00 : f32
      %broadcast_in_dim3A_1191 = vector.broadcast %jit3A_1189 : f32 to vector<16xf32>
      %broadcast_in_dim3A_1192 = vector.broadcast %jit3A_1190 : f32 to vector<16xf32>
      %select_n3A_1193 = arith.select %eq3A_1188, %broadcast_in_dim3A_1191, %broadcast_in_dim3A_1192 : vector<16xi1>, vector<16xf32>
      %add3A_1194 = arith.addf %select_n3A_1185, %select_n3A_1193 : vector<16xf32>
      %swap3A_1195 = arith.constant 13 : i32
      %swap3A_1196 = arith.index_cast %swap3A_1195 : i32 to index
      %swap3A_1197 = arith.constant 0 : index
      %swap3A_1198 = tpu.vector_load %arg19[%swap3A_1196, %swap3A_1197] {strides = array<i32>} : memref<16x16xf32, #tpu.memory_space<vmem>>, vector<1x16xf32>,
      %swap3A_1199 = vector.shape_cast %swap3A_1198 : vector<1x16xf32> to vector<16xf32>
      %swap3A_1200 = vector.shape_cast %add3A_1194 : vector<16xf32> to vector<1x16xf32>
      tpu.vector_store %arg19[%swap3A_1196, %swap3A_1197], %swap3A_1200 {add = true, strides = array<i32>} : memref<16x16xf32, #tpu.memory_space<vmem>>, vector<1x16xf32>,
      %swap3A_1201 = arith.constant 14 : i32
      %swap3A_1202 = arith.index_cast %swap3A_1201 : i32 to index
      %swap3A_1203 = arith.constant 0 : index
      %swap3A_1204 = tpu.vector_load %arg18[%swap3A_1202, %swap3A_1203] {strides = array<i32>} : memref<16x16xf32, #tpu.memory_space<vmem>>, vector<1x16xf32>,
      %swap3A_1205 = vector.shape_cast %swap3A_1204 : vector<1x16xf32> to vector<16xf32>
      %swap3A_1206 = vector.shape_cast %mul3A_419 : vector<16xf32> to vector<1x16xf32>
      tpu.vector_store %arg18[%swap3A_1202, %swap3A_1203], %swap3A_1206 {add = true, strides = array<i32>} : memref<16x16xf32, #tpu.memory_space<vmem>>, vector<1x16xf32>,
      %eq3A_1207 = arith.constant 14 : i32
      %eq3A_1208 = vector.broadcast %eq3A_1207 : i32 to vector<16xi32>
      %eq3A_1209 = arith.cmpi eq, %min3A_542, %eq3A_1208 : vector<16xi32>
      %jit3A_1210 = arith.constant 1.000000e+00 : f32
      %jit3A_1211 = arith.constant 0.000000e+00 : f32
      %broadcast_in_dim3A_1212 = vector.broadcast %jit3A_1210 : f32 to vector<16xf32>
      %broadcast_in_dim3A_1213 = vector.broadcast %jit3A_1211 : f32 to vector<16xf32>
      %select_n3A_1214 = arith.select %eq3A_1209, %broadcast_in_dim3A_1212, %broadcast_in_dim3A_1213 : vector<16xi1>, vector<16xf32>
      %eq3A_1215 = arith.constant 14 : i32
      %eq3A_1216 = vector.broadcast %eq3A_1215 : i32 to vector<16xi32>
      %eq3A_1217 = arith.cmpi eq, %min3A_764, %eq3A_1216 : vector<16xi32>
      %jit3A_1218 = arith.constant 1.000000e+00 : f32
      %jit3A_1219 = arith.constant 0.000000e+00 : f32
      %broadcast_in_dim3A_1220 = vector.broadcast %jit3A_1218 : f32 to vector<16xf32>
      %broadcast_in_dim3A_1221 = vector.broadcast %jit3A_1219 : f32 to vector<16xf32>
      %select_n3A_1222 = arith.select %eq3A_1217, %broadcast_in_dim3A_1220, %broadcast_in_dim3A_1221 : vector<16xi1>, vector<16xf32>
      %add3A_1223 = arith.addf %select_n3A_1214, %select_n3A_1222 : vector<16xf32>
      %swap3A_1224 = arith.constant 14 : i32
      %swap3A_1225 = arith.index_cast %swap3A_1224 : i32 to index
      %swap3A_1226 = arith.constant 0 : index
      %swap3A_1227 = tpu.vector_load %arg19[%swap3A_1225, %swap3A_1226] {strides = array<i32>} : memref<16x16xf32, #tpu.memory_space<vmem>>, vector<1x16xf32>,
      %swap3A_1228 = vector.shape_cast %swap3A_1227 : vector<1x16xf32> to vector<16xf32>
      %swap3A_1229 = vector.shape_cast %add3A_1223 : vector<16xf32> to vector<1x16xf32>
      tpu.vector_store %arg19[%swap3A_1225, %swap3A_1226], %swap3A_1229 {add = true, strides = array<i32>} : memref<16x16xf32, #tpu.memory_space<vmem>>, vector<1x16xf32>,
      %swap3A_1230 = arith.constant 15 : i32
      %swap3A_1231 = arith.index_cast %swap3A_1230 : i32 to index
      %swap3A_1232 = arith.constant 0 : index
      %swap3A_1233 = tpu.vector_load %arg18[%swap3A_1231, %swap3A_1232] {strides = array<i32>} : memref<16x16xf32, #tpu.memory_space<vmem>>, vector<1x16xf32>,
      %swap3A_1234 = vector.shape_cast %swap3A_1233 : vector<1x16xf32> to vector<16xf32>
      %swap3A_1235 = vector.shape_cast %mul3A_420 : vector<16xf32> to vector<1x16xf32>
      tpu.vector_store %arg18[%swap3A_1231, %swap3A_1232], %swap3A_1235 {add = true, strides = array<i32>} : memref<16x16xf32, #tpu.memory_space<vmem>>, vector<1x16xf32>,
      %eq3A_1236 = arith.constant 15 : i32
      %eq3A_1237 = vector.broadcast %eq3A_1236 : i32 to vector<16xi32>
      %eq3A_1238 = arith.cmpi eq, %min3A_542, %eq3A_1237 : vector<16xi32>
      %jit3A_1239 = arith.constant 1.000000e+00 : f32
      %jit3A_1240 = arith.constant 0.000000e+00 : f32
      %broadcast_in_dim3A_1241 = vector.broadcast %jit3A_1239 : f32 to vector<16xf32>
      %broadcast_in_dim3A_1242 = vector.broadcast %jit3A_1240 : f32 to vector<16xf32>
      %select_n3A_1243 = arith.select %eq3A_1238, %broadcast_in_dim3A_1241, %broadcast_in_dim3A_1242 : vector<16xi1>, vector<16xf32>
      %eq3A_1244 = arith.constant 15 : i32
      %eq3A_1245 = vector.broadcast %eq3A_1244 : i32 to vector<16xi32>
      %eq3A_1246 = arith.cmpi eq, %min3A_764, %eq3A_1245 : vector<16xi32>
      %jit3A_1247 = arith.constant 1.000000e+00 : f32
      %jit3A_1248 = arith.constant 0.000000e+00 : f32
      %broadcast_in_dim3A_1249 = vector.broadcast %jit3A_1247 : f32 to vector<16xf32>
      %broadcast_in_dim3A_1250 = vector.broadcast %jit3A_1248 : f32 to vector<16xf32>
      %select_n3A_1251 = arith.select %eq3A_1246, %broadcast_in_dim3A_1249, %broadcast_in_dim3A_1250 : vector<16xi1>, vector<16xf32>
      %add3A_1252 = arith.addf %select_n3A_1243, %select_n3A_1251 : vector<16xf32>
      %swap3A_1253 = arith.constant 15 : i32
      %swap3A_1254 = arith.index_cast %swap3A_1253 : i32 to index
      %swap3A_1255 = arith.constant 0 : index
      %swap3A_1256 = tpu.vector_load %arg19[%swap3A_1254, %swap3A_1255] {strides = array<i32>} : memref<16x16xf32, #tpu.memory_space<vmem>>, vector<1x16xf32>,
      %swap3A_1257 = vector.shape_cast %swap3A_1256 : vector<1x16xf32> to vector<16xf32>
      %swap3A_1258 = vector.shape_cast %add3A_1252 : vector<16xf32> to vector<1x16xf32>
      tpu.vector_store %arg19[%swap3A_1254, %swap3A_1255], %swap3A_1258 {add = true, strides = array<i32>} : memref<16x16xf32, #tpu.memory_space<vmem>>, vector<1x16xf32>,
    }
    %scan3A_261 = arith.constant 32 : i32
    "tpu.region"() ({
      %run_scoped3A = tpu.sem_alloc : memref<!tpu.dma_semaphore, #tpu.memory_space<semaphore_mem>>
      %dma_start3A = tpu.memref_slice %arg3[%mul3A_2] : memref<16384xi32, #tpu.memory_space<hbm>> -> memref<512xi32, #tpu.memory_space<hbm>>
      %dma_start3A_262 = tpu.memref_slice %arg3[%mul3A_2] : memref<16384xi32, #tpu.memory_space<hbm>> -> memref<512xi32, #tpu.memory_space<hbm>>
      tpu.enqueue_dma source(%arg12 : memref<512xi32, #tpu.memory_space<vmem>>) target(%dma_start3A_262 : memref<512xi32, #tpu.memory_space<hbm>>) target_semaphore(%run_scoped3A : memref<!tpu.dma_semaphore, #tpu.memory_space<semaphore_mem>>)
      %dma_wait3A = tpu.memref_slice %arg3[%mul3A_2] : memref<16384xi32, #tpu.memory_space<hbm>> -> memref<512xi32, #tpu.memory_space<hbm>>
      %dma_wait3A_263 = tpu.memref_slice %arg3[%mul3A_2] : memref<16384xi32, #tpu.memory_space<hbm>> -> memref<512xi32, #tpu.memory_space<hbm>>
      tpu.wait_dma2 semaphore(%run_scoped3A : memref<!tpu.dma_semaphore, #tpu.memory_space<semaphore_mem>>) src(%arg12 : memref<512xi32, #tpu.memory_space<vmem>>) dst(%dma_wait3A_263 : memref<512xi32, #tpu.memory_space<hbm>>)
      tpu.yield
    }) : () -> ()
    "tpu.region"() ({
      %run_scoped3A = tpu.sem_alloc : memref<!tpu.dma_semaphore, #tpu.memory_space<semaphore_mem>>
      %dma_start3A = tpu.memref_slice %arg4[%mul3A_2] : memref<16384xi32, #tpu.memory_space<hbm>> -> memref<512xi32, #tpu.memory_space<hbm>>
      %dma_start3A_262 = tpu.memref_slice %arg4[%mul3A_2] : memref<16384xi32, #tpu.memory_space<hbm>> -> memref<512xi32, #tpu.memory_space<hbm>>
      tpu.enqueue_dma source(%arg13 : memref<512xi32, #tpu.memory_space<vmem>>) target(%dma_start3A_262 : memref<512xi32, #tpu.memory_space<hbm>>) target_semaphore(%run_scoped3A : memref<!tpu.dma_semaphore, #tpu.memory_space<semaphore_mem>>)
      %dma_wait3A = tpu.memref_slice %arg4[%mul3A_2] : memref<16384xi32, #tpu.memory_space<hbm>> -> memref<512xi32, #tpu.memory_space<hbm>>
      %dma_wait3A_263 = tpu.memref_slice %arg4[%mul3A_2] : memref<16384xi32, #tpu.memory_space<hbm>> -> memref<512xi32, #tpu.memory_space<hbm>>
      tpu.wait_dma2 semaphore(%run_scoped3A : memref<!tpu.dma_semaphore, #tpu.memory_space<semaphore_mem>>) src(%arg13 : memref<512xi32, #tpu.memory_space<vmem>>) dst(%dma_wait3A_263 : memref<512xi32, #tpu.memory_space<hbm>>)
      tpu.yield
    }) : () -> ()
    "tpu.region"() ({
      %run_scoped3A = tpu.sem_alloc : memref<!tpu.dma_semaphore, #tpu.memory_space<semaphore_mem>>
      %dma_start3A = tpu.memref_slice %arg5[%mul3A_2] : memref<16384xf32, #tpu.memory_space<hbm>> -> memref<512xf32, #tpu.memory_space<hbm>>
      %dma_start3A_262 = tpu.memref_slice %arg5[%mul3A_2] : memref<16384xf32, #tpu.memory_space<hbm>> -> memref<512xf32, #tpu.memory_space<hbm>>
      tpu.enqueue_dma source(%arg14 : memref<512xf32, #tpu.memory_space<vmem>>) target(%dma_start3A_262 : memref<512xf32, #tpu.memory_space<hbm>>) target_semaphore(%run_scoped3A : memref<!tpu.dma_semaphore, #tpu.memory_space<semaphore_mem>>)
      %dma_wait3A = tpu.memref_slice %arg5[%mul3A_2] : memref<16384xf32, #tpu.memory_space<hbm>> -> memref<512xf32, #tpu.memory_space<hbm>>
      %dma_wait3A_263 = tpu.memref_slice %arg5[%mul3A_2] : memref<16384xf32, #tpu.memory_space<hbm>> -> memref<512xf32, #tpu.memory_space<hbm>>
      tpu.wait_dma2 semaphore(%run_scoped3A : memref<!tpu.dma_semaphore, #tpu.memory_space<semaphore_mem>>) src(%arg14 : memref<512xf32, #tpu.memory_space<vmem>>) dst(%dma_wait3A_263 : memref<512xf32, #tpu.memory_space<hbm>>)
      tpu.yield
    }) : () -> ()
    "tpu.region"() ({
      %run_scoped3A = tpu.sem_alloc : memref<!tpu.dma_semaphore, #tpu.memory_space<semaphore_mem>>
      %dma_start3A = tpu.memref_slice %arg6[%mul3A_2] : memref<16384xf32, #tpu.memory_space<hbm>> -> memref<512xf32, #tpu.memory_space<hbm>>
      %dma_start3A_262 = tpu.memref_slice %arg6[%mul3A_2] : memref<16384xf32, #tpu.memory_space<hbm>> -> memref<512xf32, #tpu.memory_space<hbm>>
      tpu.enqueue_dma source(%arg15 : memref<512xf32, #tpu.memory_space<vmem>>) target(%dma_start3A_262 : memref<512xf32, #tpu.memory_space<hbm>>) target_semaphore(%run_scoped3A : memref<!tpu.dma_semaphore, #tpu.memory_space<semaphore_mem>>)
      %dma_wait3A = tpu.memref_slice %arg6[%mul3A_2] : memref<16384xf32, #tpu.memory_space<hbm>> -> memref<512xf32, #tpu.memory_space<hbm>>
      %dma_wait3A_263 = tpu.memref_slice %arg6[%mul3A_2] : memref<16384xf32, #tpu.memory_space<hbm>> -> memref<512xf32, #tpu.memory_space<hbm>>
      tpu.wait_dma2 semaphore(%run_scoped3A : memref<!tpu.dma_semaphore, #tpu.memory_space<semaphore_mem>>) src(%arg15 : memref<512xf32, #tpu.memory_space<vmem>>) dst(%dma_wait3A_263 : memref<512xf32, #tpu.memory_space<hbm>>)
      tpu.yield
    }) : () -> ()
    "tpu.region"() ({
      %run_scoped3A = tpu.sem_alloc : memref<!tpu.dma_semaphore, #tpu.memory_space<semaphore_mem>>
      %dma_start3A = tpu.memref_slice %arg7[%mul3A_2] : memref<16384xi32, #tpu.memory_space<hbm>> -> memref<512xi32, #tpu.memory_space<hbm>>
      %dma_start3A_262 = tpu.memref_slice %arg7[%mul3A_2] : memref<16384xi32, #tpu.memory_space<hbm>> -> memref<512xi32, #tpu.memory_space<hbm>>
      tpu.enqueue_dma source(%arg16 : memref<512xi32, #tpu.memory_space<vmem>>) target(%dma_start3A_262 : memref<512xi32, #tpu.memory_space<hbm>>) target_semaphore(%run_scoped3A : memref<!tpu.dma_semaphore, #tpu.memory_space<semaphore_mem>>)
      %dma_wait3A = tpu.memref_slice %arg7[%mul3A_2] : memref<16384xi32, #tpu.memory_space<hbm>> -> memref<512xi32, #tpu.memory_space<hbm>>
      %dma_wait3A_263 = tpu.memref_slice %arg7[%mul3A_2] : memref<16384xi32, #tpu.memory_space<hbm>> -> memref<512xi32, #tpu.memory_space<hbm>>
      tpu.wait_dma2 semaphore(%run_scoped3A : memref<!tpu.dma_semaphore, #tpu.memory_space<semaphore_mem>>) src(%arg16 : memref<512xi32, #tpu.memory_space<vmem>>) dst(%dma_wait3A_263 : memref<512xi32, #tpu.memory_space<hbm>>)
      tpu.yield
    }) : () -> ()
    "tpu.region"() ({
      %run_scoped3A = tpu.sem_alloc : memref<!tpu.dma_semaphore, #tpu.memory_space<semaphore_mem>>
      %dma_start3A = tpu.memref_slice %arg8[%mul3A_2] : memref<16384xi32, #tpu.memory_space<hbm>> -> memref<512xi32, #tpu.memory_space<hbm>>
      %dma_start3A_262 = tpu.memref_slice %arg8[%mul3A_2] : memref<16384xi32, #tpu.memory_space<hbm>> -> memref<512xi32, #tpu.memory_space<hbm>>
      tpu.enqueue_dma source(%arg17 : memref<512xi32, #tpu.memory_space<vmem>>) target(%dma_start3A_262 : memref<512xi32, #tpu.memory_space<hbm>>) target_semaphore(%run_scoped3A : memref<!tpu.dma_semaphore, #tpu.memory_space<semaphore_mem>>)
      %dma_wait3A = tpu.memref_slice %arg8[%mul3A_2] : memref<16384xi32, #tpu.memory_space<hbm>> -> memref<512xi32, #tpu.memory_space<hbm>>
      %dma_wait3A_263 = tpu.memref_slice %arg8[%mul3A_2] : memref<16384xi32, #tpu.memory_space<hbm>> -> memref<512xi32, #tpu.memory_space<hbm>>
      tpu.wait_dma2 semaphore(%run_scoped3A : memref<!tpu.dma_semaphore, #tpu.memory_space<semaphore_mem>>) src(%arg17 : memref<512xi32, #tpu.memory_space<vmem>>) dst(%dma_wait3A_263 : memref<512xi32, #tpu.memory_space<hbm>>)
      tpu.yield
    }) : () -> ()
    "tpu.region"() ({
      %run_scoped3A = tpu.sem_alloc : memref<!tpu.dma_semaphore, #tpu.memory_space<semaphore_mem>>
      %dma_start3A = arith.constant 0 : i32
      %dma_start3A_262 = arith.constant 0 : i32
      %dma_start3A_263 = tpu.memref_slice %arg9[%add3A, %dma_start3A, %dma_start3A_262] : memref<32x16x16xf32, #tpu.memory_space<hbm>> -> memref<1x16x16xf32, #tpu.memory_space<hbm>>
      %dma_start3A_264 = tpu.memref_squeeze %dma_start3A_263 : memref<1x16x16xf32, #tpu.memory_space<hbm>> -> memref<16x16xf32, #tpu.memory_space<hbm>>
      %dma_start3A_265 = arith.constant 0 : i32
      %dma_start3A_266 = arith.constant 0 : i32
      %dma_start3A_267 = tpu.memref_slice %arg9[%add3A, %dma_start3A_265, %dma_start3A_266] : memref<32x16x16xf32, #tpu.memory_space<hbm>> -> memref<1x16x16xf32, #tpu.memory_space<hbm>>
      %dma_start3A_268 = tpu.memref_squeeze %dma_start3A_267 : memref<1x16x16xf32, #tpu.memory_space<hbm>> -> memref<16x16xf32, #tpu.memory_space<hbm>>
      tpu.enqueue_dma source(%arg18 : memref<16x16xf32, #tpu.memory_space<vmem>>) target(%dma_start3A_268 : memref<16x16xf32, #tpu.memory_space<hbm>>) target_semaphore(%run_scoped3A : memref<!tpu.dma_semaphore, #tpu.memory_space<semaphore_mem>>)
      %dma_wait3A = arith.constant 0 : i32
      %dma_wait3A_269 = arith.constant 0 : i32
      %dma_wait3A_270 = tpu.memref_slice %arg9[%add3A, %dma_wait3A, %dma_wait3A_269] : memref<32x16x16xf32, #tpu.memory_space<hbm>> -> memref<1x16x16xf32, #tpu.memory_space<hbm>>
      %dma_wait3A_271 = tpu.memref_squeeze %dma_wait3A_270 : memref<1x16x16xf32, #tpu.memory_space<hbm>> -> memref<16x16xf32, #tpu.memory_space<hbm>>
      %dma_wait3A_272 = arith.constant 0 : i32
      %dma_wait3A_273 = arith.constant 0 : i32
      %dma_wait3A_274 = tpu.memref_slice %arg9[%add3A, %dma_wait3A_272, %dma_wait3A_273] : memref<32x16x16xf32, #tpu.memory_space<hbm>> -> memref<1x16x16xf32, #tpu.memory_space<hbm>>
      %dma_wait3A_275 = tpu.memref_squeeze %dma_wait3A_274 : memref<1x16x16xf32, #tpu.memory_space<hbm>> -> memref<16x16xf32, #tpu.memory_space<hbm>>
      tpu.wait_dma2 semaphore(%run_scoped3A : memref<!tpu.dma_semaphore, #tpu.memory_space<semaphore_mem>>) src(%arg18 : memref<16x16xf32, #tpu.memory_space<vmem>>) dst(%dma_wait3A_275 : memref<16x16xf32, #tpu.memory_space<hbm>>)
      tpu.yield
    }) : () -> ()
    "tpu.region"() ({
      %run_scoped3A = tpu.sem_alloc : memref<!tpu.dma_semaphore, #tpu.memory_space<semaphore_mem>>
      %dma_start3A = arith.constant 0 : i32
      %dma_start3A_262 = arith.constant 0 : i32
      %dma_start3A_263 = tpu.memref_slice %arg10[%add3A, %dma_start3A, %dma_start3A_262] : memref<32x16x16xf32, #tpu.memory_space<hbm>> -> memref<1x16x16xf32, #tpu.memory_space<hbm>>
      %dma_start3A_264 = tpu.memref_squeeze %dma_start3A_263 : memref<1x16x16xf32, #tpu.memory_space<hbm>> -> memref<16x16xf32, #tpu.memory_space<hbm>>
      %dma_start3A_265 = arith.constant 0 : i32
      %dma_start3A_266 = arith.constant 0 : i32
      %dma_start3A_267 = tpu.memref_slice %arg10[%add3A, %dma_start3A_265, %dma_start3A_266] : memref<32x16x16xf32, #tpu.memory_space<hbm>> -> memref<1x16x16xf32, #tpu.memory_space<hbm>>
      %dma_start3A_268 = tpu.memref_squeeze %dma_start3A_267 : memref<1x16x16xf32, #tpu.memory_space<hbm>> -> memref<16x16xf32, #tpu.memory_space<hbm>>
      tpu.enqueue_dma source(%arg19 : memref<16x16xf32, #tpu.memory_space<vmem>>) target(%dma_start3A_268 : memref<16x16xf32, #tpu.memory_space<hbm>>) target_semaphore(%run_scoped3A : memref<!tpu.dma_semaphore, #tpu.memory_space<semaphore_mem>>)
      %dma_wait3A = arith.constant 0 : i32
      %dma_wait3A_269 = arith.constant 0 : i32
      %dma_wait3A_270 = tpu.memref_slice %arg10[%add3A, %dma_wait3A, %dma_wait3A_269] : memref<32x16x16xf32, #tpu.memory_space<hbm>> -> memref<1x16x16xf32, #tpu.memory_space<hbm>>
      %dma_wait3A_271 = tpu.memref_squeeze %dma_wait3A_270 : memref<1x16x16xf32, #tpu.memory_space<hbm>> -> memref<16x16xf32, #tpu.memory_space<hbm>>
      %dma_wait3A_272 = arith.constant 0 : i32
      %dma_wait3A_273 = arith.constant 0 : i32
      %dma_wait3A_274 = tpu.memref_slice %arg10[%add3A, %dma_wait3A_272, %dma_wait3A_273] : memref<32x16x16xf32, #tpu.memory_space<hbm>> -> memref<1x16x16xf32, #tpu.memory_space<hbm>>
      %dma_wait3A_275 = tpu.memref_squeeze %dma_wait3A_274 : memref<1x16x16xf32, #tpu.memory_space<hbm>> -> memref<16x16xf32, #tpu.memory_space<hbm>>
      tpu.wait_dma2 semaphore(%run_scoped3A : memref<!tpu.dma_semaphore, #tpu.memory_space<semaphore_mem>>) src(%arg19 : memref<16x16xf32, #tpu.memory_space<vmem>>) dst(%dma_wait3A_275 : memref<16x16xf32, #tpu.memory_space<hbm>>)
      tpu.yield
    }) : () -> ()
    return
  }
}

module attributes {stable_mosaic.version = 14 : i64} {
  func.func @_logits_kernel(%arg0: i32, %arg1: memref<1024x2048xf32, #tpu.memory_space<vmem>>, %arg2: memref<16x2048xf32, #tpu.memory_space<vmem>>, %arg3: memref<16x1024xf32, #tpu.memory_space<vmem>>) attributes {dimension_semantics = [#tpu.dimension_semantics<arbitrary>], iteration_bounds = array<i64: 16>, scalar_prefetch = 0 : i64, scratch_operands = 0 : i64, tpu.core_type = #tpu.core_type<tc>, window_params = [{transform_indices = @transform_0, window_bounds = array<i64: 1024, 2048>}, {pipeline_mode = #tpu.pipeline_mode<synchronous>, transform_indices = @transform_1, window_bounds = array<i64: 16, 2048>}, {transform_indices = @transform_2, window_bounds = array<i64: 16, 1024>}]} {
    %get3A = arith.constant 0 : index
    %get3A_0 = arith.constant 0 : index
    %get3A_1 = vector.load %arg2[%get3A, %get3A_0] : memref<16x2048xf32, #tpu.memory_space<vmem>>, vector<16x2048xf32>
    %get3A_2 = arith.constant 0 : index
    %get3A_3 = arith.constant 0 : index
    %get3A_4 = vector.load %arg1[%get3A_2, %get3A_3] : memref<1024x2048xf32, #tpu.memory_space<vmem>>, vector<1024x2048xf32>
    %dot_general3A = arith.constant dense<0.000000e+00> : vector<16x1024xf32>
    %dot_general3A_5 = tpu.matmul %get3A_1, %get3A_4, %dot_general3A {dimension_numbers = #tpu.dot_dimension_numbers<[1], [1], [0], [0], [0, 0, 1, 0], [], []>, transpose_lhs_hint = false} : vector<16x2048xf32>, vector<1024x2048xf32>, vector<16x1024xf32> -> vector<16x1024xf32>
    %swap3A = arith.constant 0 : index
    %swap3A_6 = arith.constant 0 : index
    %swap3A_7 = vector.load %arg3[%swap3A, %swap3A_6] : memref<16x1024xf32, #tpu.memory_space<vmem>>, vector<16x1024xf32>
    tpu.vector_store %arg3[%swap3A, %swap3A_6], %dot_general3A_5 {strides = array<i32>} : memref<16x1024xf32, #tpu.memory_space<vmem>>, vector<16x1024xf32>,
    return
  }
  func.func @transform_0(%arg0: i32) -> (i32, i32) {
    %c0_i32 = arith.constant 0 : i32
    %c0_i32_0 = arith.constant 0 : i32
    return %arg0, %c0_i32 : i32, i32
  }
  func.func @transform_1(%arg0: i32) -> (i32, i32) {
    %c0_i32 = arith.constant 0 : i32
    %c0_i32_0 = arith.constant 0 : i32
    %c0_i32_1 = arith.constant 0 : i32
    return %c0_i32, %c0_i32_0 : i32, i32
  }
  func.func @transform_2(%arg0: i32) -> (i32, i32) {
    %c0_i32 = arith.constant 0 : i32
    %c0_i32_0 = arith.constant 0 : i32
    return %c0_i32, %arg0 : i32, i32
  }
}

module attributes {stable_mosaic.version = 14 : i64} {
  func.func @_aux_kernel(%arg0: memref<32x16x16xf32, #tpu.memory_space<vmem>>, %arg1: memref<32x16x16xf32, #tpu.memory_space<vmem>>, %arg2: memref<1x1xf32, #tpu.memory_space<vmem>>) attributes {dimension_semantics = [], scalar_prefetch = 0 : i64, scratch_operands = 0 : i64, tpu.core_type = #tpu.core_type<tc>} {
    %get3A = arith.constant 0 : index
    %get3A_0 = arith.constant 0 : index
    %get3A_1 = arith.constant 0 : index
    %get3A_2 = vector.load %arg0[%get3A, %get3A_0, %get3A_1] : memref<32x16x16xf32, #tpu.memory_space<vmem>>, vector<32x16x16xf32>
    %reduce_sum3A = arith.constant dense<0.000000e+00> : vector<16x16xf32>
    %reduce_sum3A_3 = vector.multi_reduction <add>, %get3A_2, %reduce_sum3A [0] : vector<32x16x16xf32> to vector<16x16xf32>
    %reduce_sum3A_4 = arith.constant dense<0.000000e+00> : vector<16xf32>
    %reduce_sum3A_5 = vector.multi_reduction <add>, %reduce_sum3A_3, %reduce_sum3A_4 [1] : vector<16x16xf32> to vector<16xf32>
    %broadcast_in_dim3A = vector.shape_cast %reduce_sum3A_5 : vector<16xf32> to vector<16x1xf32>
    %get3A_6 = arith.constant 0 : index
    %get3A_7 = arith.constant 0 : index
    %get3A_8 = arith.constant 0 : index
    %get3A_9 = vector.load %arg1[%get3A_6, %get3A_7, %get3A_8] : memref<32x16x16xf32, #tpu.memory_space<vmem>>, vector<32x16x16xf32>
    %reduce_sum3A_10 = arith.constant dense<0.000000e+00> : vector<16x16xf32>
    %reduce_sum3A_11 = vector.multi_reduction <add>, %get3A_9, %reduce_sum3A_10 [0] : vector<32x16x16xf32> to vector<16x16xf32>
    %reduce_sum3A_12 = arith.constant dense<0.000000e+00> : vector<16xf32>
    %reduce_sum3A_13 = vector.multi_reduction <add>, %reduce_sum3A_11, %reduce_sum3A_12 [1] : vector<16x16xf32> to vector<16xf32>
    %broadcast_in_dim3A_14 = vector.shape_cast %reduce_sum3A_13 : vector<16xf32> to vector<16x1xf32>
    %mul3A = arith.mulf %broadcast_in_dim3A, %broadcast_in_dim3A_14 : vector<16x1xf32>
    %reduce_sum3A_15 = vector.shape_cast %mul3A : vector<16x1xf32> to vector<1x16x1xf32>
    %reduce_sum3A_16 = arith.constant dense<0.000000e+00> : vector<1xf32>
    %reduce_sum3A_17 = vector.multi_reduction <add>, %reduce_sum3A_15, %reduce_sum3A_16 [1, 2] : vector<1x16x1xf32> to vector<1xf32>
    %reduce_sum3A_18 = vector.shape_cast %reduce_sum3A_17 : vector<1xf32> to vector<1x1x1xf32>
    %reduce_sum3A_19 = vector.extract %reduce_sum3A_18[0, 0, 0] : f32 from vector<1x1x1xf32>
    %broadcast_in_dim3A_20 = vector.broadcast %reduce_sum3A_19 : f32 to vector<1x1xf32>
    %mul3A_21 = arith.constant 2.98023217E-10 : f32
    %mul3A_22 = vector.broadcast %mul3A_21 : f32 to vector<1x1xf32>
    %mul3A_23 = arith.mulf %broadcast_in_dim3A_20, %mul3A_22 : vector<1x1xf32>
    %swap3A = arith.constant 0 : index
    %swap3A_24 = arith.constant 0 : index
    %swap3A_25 = vector.load %arg2[%swap3A, %swap3A_24] : memref<1x1xf32, #tpu.memory_space<vmem>>, vector<1x1xf32>
    tpu.vector_store %arg2[%swap3A, %swap3A_24], %mul3A_23 {strides = array<i32>} : memref<1x1xf32, #tpu.memory_space<vmem>>, vector<1x1xf32>,
    return
  }
}

</mosaic_0001>

<sc_bundles>
// kernel: kernel.5.cloned.1.call-start
scs
__scs_entry_jumppad:
0x0: {  	(pc) =	sbr.rel $0x88, $3  }
0x1: {  	(tag) =	ssettag $0x0;
	lr =	simm.s32 $0x1  }
0x2: {  	[smem:$0x3F9F] =	sst lr;
	_ =	strace $0xD0000000  }
0x3: {  	_ = 	snop  }
0x4: {  	_ = 	snop  }
0x5: {  	_ = 	snop  }
0x6: {  	_ = 	snop  }
0x7: {  	_ = 	snop  }
__scs_overlays_trampoline_lowered:
0x8: {  	[smem:$0x3FAE] =	sst s0  }
0x9: {  	[smem:$0x3FAF] =	sst s1  }
0xa: {  	[smem:$0x3FB0] =	sst s2  }
0xb: {  	[smem:$0x3FB1] =	sst s3  }
0xc: {  	[smem:$0x3FB2] =	sst s4  }
0xd: {  	[smem:$0x3FB3] =	sst s5  }
0xe: {  	[smem:$0x3FB4] =	sst s6  }
0xf: {  	[smem:$0x3FB5] =	sst s7  }
0x10: {  	[smem:$0x3FB6] =	sst s8  }
0x11: {  	[smem:$0x3FB7] =	sst s9;
	s0 =	simm.s32 @!p0 $0x0  }
0x12: {  	s1 =	sld [smem:$0x3F9D];
	s0 =	simm.s32 @p0 $0x1  }
0x13: {  	[smem:$0x3FB8] =	sst s0;
	s0 =	simm.s32 @!p1 $0x0  }
0x14: {  	s2 =	sld [smem:$0x3F9C];
	s0 =	simm.s32 @p1 $0x1  }
0x15: {  	[smem:$0x3FB9] =	sst s0;
	s0 =	simm.s32 @!p2 $0x0  }
0x16: {  	s3 =	sld [smem:$0x3FDB];
	s0 =	simm.s32 @p2 $0x1  }
0x17: {  	s4 =	simm.s32 $0x1BF5;
	[smem:$0x3FBB] =	sst s0  }
0x18: {  	s0 =	sld [smem:$0x3F9E];
	_ =	swait.ge [sflag:s4], $0x0  }
0x19: {  	s7 =	sld [smem:$0x3F9F]  }
0x1a: {  	s8 =	sadd.s32 $0xFFFFE003, lr  }
0x1b: {  	s9 =	sadd.s32 $0xFFFFFEF7, lr;
	s5 =	simm.s32 $0xFFFFFFFF;
	p2 =	slt.u32 s8, $0xFFFFF086  }
0x1c: {  	p1 =	slt.u32 s9, $0xF7A;
	s5 =	simm.s32 @!p2 $0x0  }
0x1d: {  	s5 =	simm.s32 @p1 $0x1;
	p0 =	seq.s32 s7, s2  }
0x1e: {  	s7 =	smul.u32 @!p0 $0xF7A, s2;
	p2 =	seq.s32 @!p0 s5, $0x0  }
0x1f: {  	s9 =	smul.u32 $0xF7A, s1;
	s8 =	simm.s32 @!p0 $0x1BF5;
	p2 =	por !p2, p0  }
0x20: {  	[sflag:s8] =	ssyncset.s32 @!p0 $0xFFFFF086;
	s6 =	sadd.s32 @!p0 s3, s7;
	s7 =	simm.s32 @!p0 $0x108  }
0x21: {  	s3 =	sadd.s32 s3, s9;
	s6 =	sadd.s32 @!p0 $0x88, s6;
	s7 =	simm.s32 @p2 $0x1082  }
0x22: {  	[simem:s7], [sflag:s8] =	dma.local @!p0 [hbm:s6], $0xF7A  }
0x23: {  	s9 =	sor.u32 $0xD0000000, s2;
	s6 =	simm.s32 $0x108;
	_ =	swait.ge @!p0 [sflag:s8], $0x0  }
0x24: {  	s3 =	sadd.s32 $0x88, s3;
	s6 =	simm.s32 @!p1 $0x1082;
	[sflag:s4] =	ssyncset.s32 $0xFFFFF086  }
0x25: {  	[simem:s6], [sflag:s4] =	dma.local [hbm:s3], $0xF7A  }
0x26: {  	[smem:$0x3F9F] =	sst s1;
	(tag) =	ssettag s2;
	_ =	strace s9  }
0x27: {  	s1 =	sld [smem:$0x3FAF]  }
0x28: {  	s2 =	sld [smem:$0x3FB0]  }
0x29: {  	s4 =	sld [smem:$0x3FB2]  }
0x2a: {  	p0 =	seq.s32 s5, $0x0;
	s5 =	sld [smem:$0x3FB3]  }
0x2b: {  	s6 =	sld [smem:$0x3FB4]  }
0x2c: {  	s7 =	sld [smem:$0x3FB5]  }
0x2d: {  	s3 =	simm.s32 $0x108;
	s8 =	sld [smem:$0x3FB6]  }
0x2e: {  	s3 =	simm.s32 @!p0 $0x1082;
	s9 =	sld [smem:$0x3FB7]  }
0x2f: {  	lr =	sadd.s32 s0, s3;
	s0 =	sld [smem:$0x3FAE]  }
0x30: {  	s3 =	sld [smem:$0x3FB1]  }
0x31: {  	[smem:$0x3FBA] =	sst s10  }
0x32: {  	s10 =	sld [smem:$0x3FB8];
	_ =	sdelay $0x3  }
0x33: {  	p0 =	seq.s32 s10, $0x1;
	s10 =	sld [smem:$0x3FBA];
	_ =	sdelay $0x3  }
0x34: {  	[smem:$0x3FBA] =	sst s10  }
0x35: {  	s10 =	sld [smem:$0x3FB9];
	_ =	sdelay $0x3  }
0x36: {  	p1 =	seq.s32 s10, $0x1;
	s10 =	sld [smem:$0x3FBA];
	_ =	sdelay $0x3  }
0x37: {  	[smem:$0x3FBA] =	sst s10  }
0x38: {  	s10 =	sld [smem:$0x3FBB]  }
0x39: {  	_ = 	snop;
	(pc) =	sbr.ind lr, $3  }
0x3a: {  	_ = 	snop  }
0x3b: {  	_ = 	snop  }
0x3c: {  	p2 =	seq.s32 s10, $0x1;
	s10 =	sld [smem:$0x3FBA]  }
0x3d: {  	_ =	shalt  }
0x3e: {  	_ =	shalt  }
0x3f: {  	_ =	shalt  }
0x40: {  	_ =	shalt  }
0x41: {  	_ =	shalt  }
0x42: {  	_ =	shalt  }
0x43: {  	_ =	shalt  }
0x44: {  	_ =	shalt  }
0x45: {  	_ =	shalt  }
0x46: {  	_ =	shalt  }
0x47: {  	_ =	shalt  }
0x48: {  	_ =	shalt  }
0x49: {  	_ =	shalt  }
0x4a: {  	_ =	shalt  }
0x4b: {  	_ =	shalt  }
0x4c: {  	_ =	shalt  }
0x4d: {  	_ =	shalt  }
0x4e: {  	_ =	shalt  }
0x4f: {  	_ =	shalt  }
0x50: {  	_ =	shalt  }
0x51: {  	_ =	shalt  }
0x52: {  	_ =	shalt  }
0x53: {  	_ =	shalt  }
0x54: {  	_ =	shalt  }
0x55: {  	_ =	shalt  }
0x56: {  	_ =	shalt  }
0x57: {  	_ =	shalt  }
0x58: {  	_ =	shalt  }
0x59: {  	_ =	shalt  }
0x5a: {  	_ =	shalt  }
0x5b: {  	_ =	shalt  }
0x5c: {  	_ =	shalt  }
0x5d: {  	_ =	shalt  }
0x5e: {  	_ =	shalt  }
0x5f: {  	_ =	shalt  }
0x60: {  	_ =	shalt  }
0x61: {  	_ =	shalt  }
0x62: {  	_ =	shalt  }
0x63: {  	_ =	shalt  }
0x64: {  	_ =	shalt  }
0x65: {  	_ =	shalt  }
0x66: {  	_ =	shalt  }
0x67: {  	_ =	shalt  }
0x68: {  	_ =	shalt  }
0x69: {  	_ =	shalt  }
0x6a: {  	_ =	shalt  }
0x6b: {  	_ =	shalt  }
0x6c: {  	_ =	shalt  }
0x6d: {  	_ =	shalt  }
0x6e: {  	_ =	shalt  }
0x6f: {  	_ =	shalt  }
0x70: {  	_ =	shalt  }
0x71: {  	_ =	shalt  }
0x72: {  	_ =	shalt  }
0x73: {  	_ =	shalt  }
0x74: {  	_ =	shalt  }
0x75: {  	_ =	shalt  }
0x76: {  	_ =	shalt  }
0x77: {  	_ =	shalt  }
0x78: {  	_ =	shalt  }
0x79: {  	_ =	shalt  }
0x7a: {  	_ =	shalt  }
0x7b: {  	_ =	shalt  }
0x7c: {  	_ =	shalt  }
0x7d: {  	_ =	shalt  }
0x7e: {  	_ =	shalt  }
0x7f: {  	_ =	shalt  }
0x80: {  	_ =	shalt  }
0x81: {  	_ =	shalt  }
0x82: {  	_ =	shalt  }
0x83: {  	_ =	shalt  }
0x84: {  	_ =	shalt  }
0x85: {  	_ =	shalt  }
0x86: {  	_ =	shalt  }
0x87: {  	_ =	shalt  }
.Lfunc_end0:
.L_simem_size_0:
called_computation_lowered:
.L_overlay_start_0:
0x88: {  	s2 =	sld [smem:$0x3FD9]  }
0x89: {  	s3 =	sld [smem:$0x3FFE];
	_ =	sdelay $0x1  }
0x8a: {  	s1 =	srdreg.scid  }
0x8b: {  	s0 =	sand.u32 $0x1, s1  }
0x8c: {  	s14 =	sshll.u32 s0, $0xA;
	s2 =	sadd.s32 s3, s2  }
0x8d: {  	s2 =	sadd.s32 s2, s14  }
0x8e: {  	[smem:$0x3FC6] =	sst s2  }
0x8f: {  	_ = 	snop  }
0x90: {  	s2 =	sld [smem:$0x3FD0];
	_ =	sdelay $0x2  }
0x91: {  	s15 =	simm.s32 $0xA;
	s4 =	simm.s32 $0x10  }
0x92: {  	[smem:s4], [sflag:s15] =	dma.local [hbm:s2], $0x1  }
0x93: {  	_ =	swait.eq [sflag:s15], $0x1  }
0x94: {  	[sflag:s15] =	ssyncset.done $0x0  }
0x95: {  	s16 =	sld [smem:$0x10];
	[sflag:s15] =	ssyncadd.s32 $0xFFFFFFFF  }
0x96: {  	s17 =	sld [smem:$0x12];
	(tm) =	ssettm $0x1  }
0x97: {  	s18 =	sld [smem:$0x3FFB];
	_ =	sdelay $0x3  }
0x98: {  	_ =	strace s18  }
0x99: {  	s4 =	sld [smem:$0x3FFC];
	_ =	sdelay $0x3  }
0x9a: {  	_ =	strace s4  }
0x9b: {  	s4 =	sld [smem:$0x3FFD];
	_ =	sdelay $0x3  }
0x9c: {  	_ =	strace s4  }
0x9d: {  	_ =	strace $0x8FFFFFFF  }
0x9e: {  	s19 =	sld [smem:$0x3FDB];
	_ =	sdelay $0x1  }
0x9f: {  	s5 =	simm.s32 $_scs_section_size  }
0xa0: {  	s6 =	simm.s32 $_size__tile_overlayer_lowered;
	s7 =	simm.s32 $_tile_overlayer_lowered  }
0xa1: {  	s22 =	simm.s32 $0x1BFF;
	s21 =	sshll.u32 s7, $0x1;
	s4 =	sadd.s32 s5, s19  }
0xa2: {  	s8 =	simm.s32 $0x0;
	s20 =	sshll.u32 s6, $0x1;
	s6 =	sadd.s32 s21, s4  }
0xa3: {  	[timem:s8], [sflag:s22] =	dma.local [hbm:s6], s20  }
0xa4: {  	_ =	swait.ge [sflag:s22], s20  }
0xa5: {  	s5 =	ssub.s32 $0x0, s20;
	[sflag:s22] =	ssyncset.done $0x0  }
0xa6: {  	[sflag:s22] =	ssyncadd.s32 s5;
	_ =	sdelay $0x1  }
0xa7: {  	s23 =	simm.s32 $0x1B8B  }
0xa8: {  	_ =	swait.ge [sflag:s23], $0x1  }
0xa9: {  	[sflag:s23] =	ssyncset.done $0x0  }
0xaa: {  	s25 =	simm.s32 $0x1B8E;
	s24 =	sld [smem:$0x3FFE];
	[sflag:s23] =	ssyncadd.s32 $0xFFFFFFFF  }
0xab: {  	s26 =	simm.s32 $execute0_lowered;
	[smem:$0x3FD2] =	sst s25  }
0xac: {  	s6 =	sshll.u32 s26, $0x1;
	_ =	strace $0x80000046;
	[dreg:$0x1] =	wrdreg $0xFFFFFFFF  }
0xad: {  	s28 =	simm.s32 $_size_execute0_lowered;
	s4 =	sadd.s32 s4, s6;
	[dreg:$0x0] =	wrdreg $0x0  }
0xae: {  	s6 =	sshll.u32 s28, $0x1;
	[dreg:$0x2] =	wrdreg s4  }
0xaf: {  	[dreg:$0x3] =	wrdreg s6  }
0xb0: {  	[dreg:$0x4] =	wrdreg $0xC0  }
0xb1: {  	_ =	task [dreg:s8], $0x5FFFF  }
0xb2: {  	[dreg:$0x1] =	wrdreg $0xFFFFFFFF  }
0xb3: {  	[dreg:$0x0] =	wrdreg $0x60  }
0xb4: {  	[dreg:$0x2] =	wrdreg s24  }
0xb5: {  	[dreg:$0x3] =	wrdreg s17  }
0xb6: {  	[dreg:$0x4] =	wrdreg s16  }
0xb7: {  	[dreg:$0x5] =	wrdreg $0x9  }
0xb8: {  	_ =	task.clear_ibuf [dreg:s8], $0x6FFFF;
	_ =	strace $0x90000046  }
0xb9: {  	s29 =	simm.s32 $0x9;
	_ =	strace $0x80000048  }
0xba: {  	_ =	swait.ge [sflag:s29], $0x1  }
0xbb: {  	[sflag:s29] =	ssyncadd.s32 $0xFFFFFFFF  }
0xbc: {  	_ =	strace $0x90000048  }
0xbd: {  	_ =	sfence  }
0xbe: {  	s30 =	sld [smem:$0x0];
	_ =	sdelay $0x2  }
0xbf: {  	s31 =	sshll.u32 s1, $0xD;
	s1 =	sshrl.u32 s1, $0x2  }
0xc0: {  	s3 =	sand.u32 $0x4000, s31;
	s1 =	sadd.s32 s1, s30  }
0xc1: {  	s0 =	sor.u32 s3, s0;
	s1 =	sshll.u32 s1, $0x11  }
0xc2: {  	s0 =	sor.u32 s1, s0  }
0xc3: {  	s0 =	sadd.s32 $0x8F2B, s0  }
0xc4: {  	[sflag:s0] =	ssyncadd.remote.s32 $0x1  }
0xc5: {  	_ =	sfence.sel $0xFFFF  }
0xc6: {  	[dreg:$0x0] =	wrdreg $0xFFFFFFFF;
	(pc) =	sbr.abs _section_cstart, $3  }
0xc7: {  	[dreg:$0x1] =	wrdreg $0xFFFFFFFF  }
0xc8: {  	_ =	task.clear_ibuf [dreg:s8], $0x2FFFF;
	_ =	strace $0x9FFFFFFF  }
0xc9: {  	(tm) =	ssettm $0x7FFFFFFF  }
tec
execute0_lowered:
.L_overlay_start_1:
0x0: {  	(tag) =	ssettag $0x1  }
0x1: {  	s0 =	rddreg [dreg:$0x0]  }
0x2: {  	s1 =	rddreg [dreg:$0x1]  }
0x3: {  	s3 =	rddreg [dreg:$0x2];
	s2 =	simm.s32 $0x0  }
0x4: {  	s23 =	simm.s32 $0x2C80;
	[smem:$0x7FF] =	sst s2  }
0x5: {  	s24 =	simm.s32 $0x3480;
	_ =	strace $0x80000047;
	[dreg:$0x5] =	wrdreg s23  }
0x6: {  	s25 =	simm.s32 $0x2D00;
	[dreg:$0x6] =	wrdreg s24  }
0x7: {  	s26 =	simm.s32 $0x3500;
	[dreg:$0x7] =	wrdreg s25  }
0x8: {  	s4 =	srdreg.scid;
	s31 =	simm.s32 $0x2D80;
	[dreg:$0x8] =	wrdreg s26  }
0x9: {  	s7 =	stileid.u32;
	s10 =	simm.s32 $0x2E00;
	[dreg:$0x9] =	wrdreg s31  }
0xa: {  	s12 =	simm.s32 $0x3600;
	s14 =	simm.s32 $0x2E80;
	[dreg:$0xb] =	wrdreg s10  }
0xb: {  	s15 =	simm.s32 $0x3680;
	s16 =	simm.s32 $0x2F00;
	[dreg:$0xc] =	wrdreg s12  }
0xc: {  	s18 =	simm.s32 $0x3700;
	s20 =	simm.s32 $0x2F80;
	[dreg:$0xd] =	wrdreg s14  }
0xd: {  	s28 =	simm.s32 $0x3380;
	s29 =	simm.s32 $0x3B80;
	[dreg:$0xe] =	wrdreg s15  }
0xe: {  	s4 =	sand.u32 $0x1, s4;
	s5 =	sshll.u32 s7, $0x1;
	[dreg:$0xf] =	wrdreg s16  }
0xf: {  	s7 =	sshll.u32 s7, $0xA;
	s5 =	sor.u32 s4, s5;
	[dreg:$0x10] =	wrdreg s18  }
0x10: {  	s8 =	sshll.u32 s4, $0x9;
	s4 =	ssub.s32 $0x2, s4;
	[dreg:$0x11] =	wrdreg s20  }
0x11: {  	s23 =	simm.s32 $0x3000;
	s25 =	simm.s32 $0x3800;
	s26 =	simm.s32 $0x3080  }
0x12: {  	s15 =	simm.s32 $0x1;
	s31 =	simm.s32 $0x3100;
	[dreg:$0x13] =	wrdreg s23  }
0x13: {  	s16 =	simm.s32 $0x2C00;
	s18 =	simm.s32 $0x3900;
	[dreg:$0x14] =	wrdreg s25  }
0x14: {  	s20 =	simm.s32 $0x3980;
	s10 =	simm.s32 $0x2A00;
	[dreg:$0x15] =	wrdreg s26  }
0x15: {  	s6 =	sshll.u32 s5, $0x9;
	s7 =	sor.u32 s8, s7;
	[dreg:$0x17] =	wrdreg s31  }
0x16: {  	s9 =	sshll.u32 s5, $0x6;
	[dreg:$0x4] =	wrdreg s7;
	s7 =	simm.s32 $0x3580  }
0x17: {  	s30 =	sshrl.u32 s4, $0x1;
	s1 =	sadd.s32 s1, s9;
	[dreg:$0xa] =	wrdreg s7  }
0x18: {  	s6 =	sadd.s32 s6, s0;
	s3 =	sadd.s32 s3, s9;
	[dreg:$0x1b] =	wrdreg s1  }
0x19: {  	s4 =	ssub.s32 s4, s30;
	s30 =	simm.s32 $0x3880;
	[dreg:$0x1c] =	wrdreg s3  }
0x1a: {  	s22 =	sadd.s32 s9, s0;
	s6 =	sadd.s32 $0x1200, s6;
	[dreg:$0x16] =	wrdreg s30  }
0x1b: {  	s5 =	sshll.u32 s5, $0x8;
	s11 =	sadd.s32 $0xD200, s22;
	[dreg:$0x18] =	wrdreg s6  }
0x1c: {  	s23 =	simm.s32 $0x3280;
	s13 =	sadd.s32 $0xDA00, s22;
	[dreg:$0x19] =	wrdreg s11  }
0x1d: {  	s25 =	simm.s32 $0x3300;
	s17 =	sadd.s32 $0xE200, s22;
	[dreg:$0x1a] =	wrdreg s13  }
0x1e: {  	s0 =	sadd.s32 s5, s0;
	s19 =	sadd.s32 $0xEA00, s22;
	[dreg:$0x1d] =	wrdreg s17  }
0x1f: {  	s26 =	simm.s32 $0x3B00;
	s21 =	sadd.s32 $0x9200, s0;
	[dreg:$0x1e] =	wrdreg s19  }
0x20: {  	s8 =	simm.s32 $0x2600;
	s0 =	sadd.s32 $0xB200, s0;
	[dreg:$0x1f] =	wrdreg s21  }
0x21: {  	s5 =	simm.s32 $0x2000;
	s22 =	simm.s32 $0x3780;
	[smem:$0x7FC] =	sst s0  }
0x22: {  	s9 =	simm.s32 $0x2800;
	s24 =	smax.u32 s4, $0x1;
	[dreg:$0x12] =	wrdreg s22  }
0x23: {  	s7 =	simm.s32 $0x2400;
	s3 =	simm.s32 $0x0;
	[smem:$0x7FD] =	sst s24  }
0x24: {  	v0 =	vlaneseq.u32;
	s17 =	simm.s32 $0x3400;
	s19 =	simm.s32 $0x3180;
	s21 =	simm.s32 $0x3200  }
0x25: {  	v1 =	vimm.f32 $0.0e+00;
	v2 =	vimm.s32 $0x10;
	v3 =	vor.u32 $0x4000, v0;
	s22 =	simm.s32 $0x3A00;
	s24 =	simm.s32 $0x3A80;
	s6 =	simm.s32 $0x2200  }
.LBB2_1:
0x26: {  	s0 =	rddreg [dreg:$0x18];
	s1 =	simm.s32 $0x1000;
	s4 =	simm.s32 $0x20000  }
0x27: {  	[tilespmem:s2], [sflag:$0x1] =	stream.strided.gather [hbm4b:s0+s1], $0x2000, s4, s1, $0x38;
	[tilespmem:$0x3C00] =	vst v63  }
0x28: {  	_ =	swait.ge [sflag:s15], $0x2000  }
0x29: {  	[sflag:s15] =	ssyncset.done $0x0  }
0x2a: {  	[sflag:s15] =	ssyncadd.s32 $0xFFFFE000  }
0x2b: {  	[tilespmem:$0x2C00] =	vst v1  }
0x2c: {  	[tilespmem:$0x3400] =	vst v1  }
0x2d: {  	[tilespmem:$0x2C80] =	vst v1  }
0x2e: {  	[tilespmem:$0x3480] =	vst v1  }
0x2f: {  	[tilespmem:$0x2D00] =	vst v1  }
0x30: {  	[tilespmem:$0x3500] =	vst v1  }
0x31: {  	[tilespmem:$0x2D80] =	vst v1  }
0x32: {  	[tilespmem:$0x3580] =	vst v1  }
0x33: {  	[tilespmem:$0x2E00] =	vst v1  }
0x34: {  	[tilespmem:$0x3600] =	vst v1  }
0x35: {  	[tilespmem:$0x2E80] =	vst v1  }
0x36: {  	[tilespmem:$0x3680] =	vst v1  }
0x37: {  	[tilespmem:$0x2F00] =	vst v1  }
0x38: {  	[tilespmem:$0x3700] =	vst v1  }
0x39: {  	[tilespmem:$0x2F80] =	vst v1  }
0x3a: {  	[tilespmem:$0x3780] =	vst v1  }
0x3b: {  	[tilespmem:$0x3000] =	vst v1  }
0x3c: {  	[tilespmem:$0x3800] =	vst v1  }
0x3d: {  	[tilespmem:$0x3080] =	vst v1  }
0x3e: {  	[tilespmem:$0x3880] =	vst v1  }
0x3f: {  	[tilespmem:$0x3100] =	vst v1  }
0x40: {  	[tilespmem:$0x3900] =	vst v1  }
0x41: {  	[tilespmem:$0x3180] =	vst v1  }
0x42: {  	[tilespmem:$0x3980] =	vst v1  }
0x43: {  	[tilespmem:$0x3200] =	vst v1  }
0x44: {  	[tilespmem:$0x3A00] =	vst v1  }
0x45: {  	[tilespmem:$0x3280] =	vst v1  }
0x46: {  	[tilespmem:$0x3A80] =	vst v1  }
0x47: {  	[tilespmem:$0x3300] =	vst v1  }
0x48: {  	[tilespmem:$0x3B00] =	vst v1  }
0x49: {  	s14 =	sand.u32 $0x70, s2;
	s1 =	sand.u32 $0xC00, s2;
	[tilespmem:$0x3380] =	vst v1  }
0x4a: {  	s0 =	sor.u32 s14, s1;
	[tilespmem:$0x3B80] =	vst v1  }
0x4b: {  	v4 =	vld [tilespmem:s0+$0x0]  }
0x4c: {  	v5 =	vld [tilespmem:s0+$0x80]  }
0x4d: {  	v6 =	vld [tilespmem:s0+$0x100]  }
0x4e: {  	v7 =	vld [tilespmem:s0+$0x180]  }
0x4f: {  	v8 =	vld [tilespmem:s0+$0x200]  }
0x50: {  	v9 =	vld [tilespmem:s0+$0x280]  }
0x51: {  	v10 =	vld [tilespmem:s0+$0x300];
	v11 =	vmax.f32 v4, v5  }
0x52: {  	v12 =	vld [tilespmem:s0+$0x380];
	v11 =	vmax.f32 v11, v6  }
0x53: {  	v13 =	vld [tilespmem:s0+$0x1000];
	v11 =	vmax.f32 v11, v7  }
0x54: {  	v14 =	vld [tilespmem:s0+$0x1080];
	v11 =	vmax.f32 v11, v8  }
0x55: {  	v15 =	vld [tilespmem:s0+$0x1100];
	v11 =	vmax.f32 v11, v9  }
0x56: {  	v16 =	vld [tilespmem:s0+$0x1180];
	v11 =	vmax.f32 v11, v10  }
0x57: {  	v17 =	vld [tilespmem:s0+$0x1200];
	v11 =	vmax.f32 v11, v12  }
0x58: {  	v18 =	vld [tilespmem:s0+$0x1280];
	v11 =	vmax.f32 v11, v13  }
0x59: {  	v19 =	vld [tilespmem:s0+$0x1300];
	v11 =	vmax.f32 v11, v14  }
0x5a: {  	v20 =	vld [tilespmem:s0+$0x1380];
	v11 =	vmax.f32 v11, v15  }
0x5b: {  	v11 =	vmax.f32 v11, v16  }
0x5c: {  	v11 =	vmax.f32 v11, v17  }
0x5d: {  	v11 =	vmax.f32 v11, v18  }
0x5e: {  	v11 =	vmax.f32 v11, v19  }
0x5f: {  	v11 =	vmax.f32 v11, v20  }
0x60: {  	v4 =	vsub.f32 v4, v11  }
0x61: {  	v5 =	vsub.f32 v5, v11  }
0x62: {  	v4 =	vmul.f32 $1.442695020e+00, v4  }
0x63: {  	v6 =	vsub.f32 v6, v11;
	v5 =	vmul.f32 $1.442695020e+00, v5  }
0x64: {  	(erf) = vpow2.f32 v4  }
0x65: {  	v6 =	vmul.f32 $1.442695020e+00, v6;
	v4 =	vsub.f32 v7, v11;
	(erf) = vpow2.f32 v5;
	_ =	sdelay $0x1  }
0x66: {  	v5 =	vsub.f32 v8, v11;
	v4 =	vmul.f32 $1.442695020e+00, v4;
	(erf) = vpow2.f32 v6;
	_ =	sdelay $0x1  }
0x67: {  	v6 =	vsub.f32 v9, v11;
	v5 =	vmul.f32 $1.442695020e+00, v5;
	(erf) = vpow2.f32 v4;
	_ =	sdelay $0x1  }
0x68: {  	v4 =	vsub.f32 v10, v11;
	v6 =	vmul.f32 $1.442695020e+00, v6;
	(erf) = vpow2.f32 v5  }
0x69: {  	v5 =	vsub.f32 v12, v11  }
0x6a: {  	v4 =	vmul.f32 $1.442695020e+00, v4;
	v7 =	vpop (erf);
	(erf) = vpow2.f32 v6  }
0x6b: {  	v5 =	vmul.f32 $1.442695020e+00, v5;
	v8 =	vpop (erf)  }
0x6c: {  	v6 =	vsub.f32 v13, v11;
	(erf) = vpow2.f32 v4;
	v9 =	vadd.f32 v8, v7  }
0x6d: {  	v4 =	vsub.f32 v14, v11;
	v10 =	vpop (erf)  }
0x6e: {  	v6 =	vmul.f32 $1.442695020e+00, v6;
	(erf) = vpow2.f32 v5;
	v9 =	vadd.f32 v9, v10  }
0x6f: {  	v5 =	vsub.f32 v15, v11;
	v12 =	vpop (erf)  }
0x70: {  	v4 =	vmul.f32 $1.442695020e+00, v4;
	(erf) = vpow2.f32 v6;
	v9 =	vadd.f32 v9, v12  }
0x71: {  	v6 =	vsub.f32 v16, v11;
	v13 =	vpop (erf)  }
0x72: {  	v5 =	vmul.f32 $1.442695020e+00, v5;
	(erf) = vpow2.f32 v4;
	v9 =	vadd.f32 v9, v13  }
0x73: {  	v4 =	vsub.f32 v17, v11;
	v14 =	vpop (erf)  }
0x74: {  	v6 =	vmul.f32 $1.442695020e+00, v6;
	(erf) = vpow2.f32 v5;
	v9 =	vadd.f32 v9, v14  }
0x75: {  	v5 =	vsub.f32 v18, v11;
	v21 =	vpop (erf)  }
0x76: {  	v4 =	vmul.f32 $1.442695020e+00, v4;
	(erf) = vpow2.f32 v6;
	v9 =	vadd.f32 v9, v21  }
0x77: {  	v6 =	vsub.f32 v19, v11;
	v22 =	vpop (erf);
	v5 =	vmul.f32 $1.442695020e+00, v5  }
0x78: {  	(erf) = vpow2.f32 v4;
	v9 =	vadd.f32 v9, v22  }
0x79: {  	v4 =	vsub.f32 v20, v11;
	v6 =	vmul.f32 $1.442695020e+00, v6;
	v11 =	vpop (erf)  }
0x7a: {  	(erf) = vpow2.f32 v5;
	v9 =	vadd.f32 v9, v11  }
0x7b: {  	v4 =	vmul.f32 $1.442695020e+00, v4;
	v5 =	vpop (erf)  }
0x7c: {  	(erf) = vpow2.f32 v6;
	v9 =	vadd.f32 v9, v5  }
0x7d: {  	v6 =	vpop (erf)  }
0x7e: {  	(erf) = vpow2.f32 v4;
	v9 =	vadd.f32 v9, v6  }
0x7f: {  	v4 =	vpop (erf)  }
0x80: {  	v9 =	vadd.f32 v9, v4  }
0x81: {  	v20 =	vpop (erf)  }
0x82: {  	v9 =	vadd.f32 v9, v20  }
0x83: {  	v23 =	vpop (erf)  }
0x84: {  	v9 =	vadd.f32 v9, v23  }
0x85: {  	v24 =	vpop (erf)  }
0x86: {  	v9 =	vadd.f32 v9, v24  }
0x87: {  	v25 =	vpop (erf)  }
0x88: {  	v9 =	vadd.f32 v9, v25;
	_ =	sdelay $0x1  }
0x89: {  	(erf) = vrcp.f32 v9;
	_ =	sdelay $0x8  }
0x8a: {  	v26 =	vpop (erf)  }
0x8b: {  	v18 =	vmul.f32 v26, v7;
	v19 =	vmul.f32 v26, v8  }
0x8c: {  	v17 =	vmul.f32 v26, v10  }
0x8d: {  	v16 =	vmul.f32 v26, v12;
	v7 =	vmax.f32 v18, v19  }
0x8e: {  	v15 =	vmul.f32 v26, v13;
	v7 =	vmax.f32 v7, v17  }
0x8f: {  	v14 =	vmul.f32 v26, v14;
	v7 =	vmax.f32 v7, v16  }
0x90: {  	v13 =	vmul.f32 v26, v21;
	v7 =	vmax.f32 v7, v15  }
0x91: {  	v12 =	vmul.f32 v26, v22;
	v7 =	vmax.f32 v7, v14  }
0x92: {  	v11 =	vmul.f32 v26, v11;
	v7 =	vmax.f32 v7, v13  }
0x93: {  	v10 =	vmul.f32 v26, v5;
	v5 =	vmax.f32 v7, v12  }
0x94: {  	v9 =	vmul.f32 v26, v6;
	v5 =	vmax.f32 v5, v11  }
0x95: {  	v8 =	vmul.f32 v26, v4;
	v4 =	vmax.f32 v5, v10  }
0x96: {  	v7 =	vmul.f32 v26, v20;
	v4 =	vmax.f32 v4, v9  }
0x97: {  	v6 =	vmul.f32 v26, v23;
	v4 =	vmax.f32 v4, v8  }
0x98: {  	v5 =	vmul.f32 v26, v24;
	v20 =	vmax.f32 v4, v7  }
0x99: {  	v4 =	vmul.f32 v26, v25;
	v20 =	vmax.f32 v20, v6  }
0x9a: {  	v20 =	vmax.f32 v20, v5  }
0x9b: {  	v20 =	vmax.f32 v20, v4  }
0x9c: {  	vm0 =	veq.f32 v4, v20  }
0x9d: {  	vm1 =	veq.f32 v5, v20;
	v21 =	vsel vm0, $0xF, v2  }
0x9e: {  	vm0 =	veq.f32 v6, v20;
	v21 =	vsel vm1, $0xE, v21  }
0x9f: {  	vm1 =	veq.f32 v7, v20;
	v21 =	vsel vm0, $0xD, v21  }
0xa0: {  	vm0 =	veq.f32 v8, v20;
	v21 =	vsel vm1, $0xC, v21  }
0xa1: {  	vm1 =	veq.f32 v9, v20;
	v21 =	vsel vm0, $0xB, v21  }
0xa2: {  	vm0 =	veq.f32 v10, v20;
	v21 =	vsel vm1, $0xA, v21  }
0xa3: {  	vm1 =	veq.f32 v11, v20;
	v21 =	vsel vm0, $0x9, v21  }
0xa4: {  	vm0 =	veq.f32 v12, v20;
	v21 =	vsel vm1, $0x8, v21  }
0xa5: {  	vm1 =	veq.f32 v13, v20;
	v21 =	vsel vm0, $0x7, v21  }
0xa6: {  	vm0 =	veq.f32 v14, v20;
	v21 =	vsel vm1, $0x6, v21  }
0xa7: {  	vm1 =	veq.f32 v15, v20;
	v21 =	vsel vm0, $0x5, v21  }
0xa8: {  	vm0 =	veq.f32 v16, v20;
	v21 =	vsel vm1, $0x4, v21  }
0xa9: {  	vm1 =	veq.f32 v17, v20;
	v21 =	vsel vm0, $0x3, v21  }
0xaa: {  	vm0 =	veq.f32 v19, v20;
	v21 =	vsel vm1, $0x2, v21  }
0xab: {  	vm1 =	veq.f32 v18, v20;
	v21 =	vsel vm0, $0x1, v21  }
0xac: {  	v21 =	vsel vm1, $0x0, v21  }
0xad: {  	vm14 =	veq.s32 v21, $0x0;
	vm13 =	veq.s32 v21, $0x1  }
0xae: {  	vm11 =	veq.s32 v21, $0x2;
	v22 =	vsel vm14, $0xFF800000, v18;
	v23 =	vsel vm13, $0xFF800000, v19  }
0xaf: {  	vm12 =	veq.s32 v21, $0x3;
	v57 =	vsel vm11, $0xFF800000, v17;
	v58 =	vmax.f32 v22, v23  }
0xb0: {  	vm10 =	veq.s32 v21, $0x4;
	v59 =	vsel vm12, $0xFF800000, v16;
	v25 =	vmax.f32 v58, v57  }
0xb1: {  	vm9 =	veq.s32 v21, $0x5;
	v27 =	vsel vm10, $0xFF800000, v15;
	v25 =	vmax.f32 v25, v59  }
0xb2: {  	vm8 =	veq.s32 v21, $0x6;
	v28 =	vsel vm9, $0xFF800000, v14;
	v25 =	vmax.f32 v25, v27  }
0xb3: {  	vm7 =	veq.s32 v21, $0x7;
	v29 =	vsel vm8, $0xFF800000, v13;
	v25 =	vmax.f32 v25, v28  }
0xb4: {  	vm6 =	veq.s32 v21, $0x8;
	v30 =	vsel vm7, $0xFF800000, v12;
	v25 =	vmax.f32 v25, v29  }
0xb5: {  	vm15 =	veq.s32 v21, $0x9;
	v31 =	vsel vm6, $0xFF800000, v11;
	v25 =	vmax.f32 v25, v30  }
0xb6: {  	vm1 =	veq.s32 v21, $0xA;
	v32 =	vsel vm15, $0xFF800000, v10;
	v25 =	vmax.f32 v25, v31  }
0xb7: {  	vm0 =	veq.s32 v21, $0xB;
	v60 =	vsel vm1, $0xFF800000, v9;
	v25 =	vmax.f32 v25, v32  }
0xb8: {  	vm5 =	veq.s32 v21, $0xC;
	v61 =	vsel vm0, $0xFF800000, v8;
	v25 =	vmax.f32 v25, v60  }
0xb9: {  	vm4 =	veq.s32 v21, $0xD;
	v35 =	vsel vm5, $0xFF800000, v7;
	v25 =	vmax.f32 v25, v61  }
0xba: {  	vm3 =	veq.s32 v21, $0xE;
	v36 =	vsel vm4, $0xFF800000, v6;
	v25 =	vmax.f32 v25, v35  }
0xbb: {  	vm2 =	veq.s32 v21, $0xF;
	v37 =	vsel vm3, $0xFF800000, v5;
	v25 =	vmax.f32 v25, v36  }
0xbc: {  	v38 =	vsel vm2, $0xFF800000, v4;
	v25 =	vmax.f32 v25, v37  }
0xbd: {  	v34 =	vimm.s32 $0x0;
	v25 =	vmax.f32 v25, v38  }
0xbe: {  	v34 =	vsel vm0, $0xFFFFFFFF, v34;
	vm0 =	veq.f32 v38, v25  }
0xbf: {  	v38 =	vsel vm0, $0xF, v2;
	vm0 =	veq.f32 v37, v25  }
0xc0: {  	v37 =	vsel vm0, $0xE, v38;
	vm0 =	veq.f32 v36, v25  }
0xc1: {  	v36 =	vsel vm0, $0xD, v37;
	vm0 =	veq.f32 v35, v25  }
0xc2: {  	v33 =	vimm.s32 $0x0;
	v35 =	vsel vm0, $0xC, v36;
	vm0 =	veq.f32 v61, v25  }
0xc3: {  	v33 =	vsel vm1, $0xFFFFFFFF, v33;
	[tilespmem:$0x1FFF0] =	vst v34;
	v34 =	vsel vm0, $0xB, v35;
	vm0 =	veq.f32 v60, v25  }
0xc4: {  	[tilespmem:$0x1FFE0] =	vst v33;
	v33 =	vsel vm0, $0xA, v34;
	vm0 =	veq.f32 v32, v25  }
0xc5: {  	v32 =	vsel vm0, $0x9, v33;
	vm0 =	veq.f32 v31, v25  }
0xc6: {  	v31 =	vsel vm0, $0x8, v32;
	vm0 =	veq.f32 v30, v25  }
0xc7: {  	v30 =	vsel vm0, $0x7, v31;
	vm0 =	veq.f32 v29, v25  }
0xc8: {  	v29 =	vsel vm0, $0x6, v30;
	vm0 =	veq.f32 v28, v25  }
0xc9: {  	v28 =	vsel vm0, $0x5, v29;
	vm0 =	veq.f32 v27, v25  }
0xca: {  	v27 =	vsel vm0, $0x4, v28;
	vm0 =	veq.f32 v59, v25  }
0xcb: {  	v26 =	vsel vm0, $0x3, v27;
	vm0 =	veq.f32 v57, v25  }
0xcc: {  	v24 =	vsel vm0, $0x2, v26;
	vm0 =	veq.f32 v23, v25  }
0xcd: {  	v23 =	vsel vm0, $0x1, v24;
	vm0 =	veq.f32 v22, v25  }
0xce: {  	[tilespmem:s5+$0x0] =	vst v21;
	v23 =	vsel vm0, $0x0, v23  }
0xcf: {  	s4 =	rddreg [dreg:$0x4];
	[tilespmem:s6+$0x0] =	vst v23  }
0xd0: {  	s0 =	sadd.s32 $0x0, s4;
	[tilespmem:s7+$0x0] =	vst v20  }
0xd1: {  	s11 =	rddreg [dreg:$0x7];
	vm0 =	veq.s32 v23, $0x0;
	v20 =	vor.u32 s0, v0;
	[tilespmem:s8+$0x0] =	vst v25  }
0xd2: {  	s12 =	rddreg [dreg:$0x8];
	v21 =	vsel vm14, $0x3F800000, v1;
	v22 =	vor.u32 s0, v3;
	v62 =	vsel vm0, $0x3F800000, v1;
	[tilespmem:s9+$0x0] =	vst v20  }
0xd3: {  	s13 =	rddreg [dreg:$0x9];
	vm0 =	veq.s32 v23, $0x1;
	v20 =	vadd.f32 v62, v21;
	[tilespmem:s10+$0x0] =	vst v22  }
0xd4: {  	s14 =	rddreg [dreg:$0xa];
	v21 =	vsel vm13, $0x3F800000, v1;
	v22 =	vsel vm0, $0x3F800000, v1;
	[tilespmem:s16+$0x0] =	vst.add.f32.msk $0xffff, v18  }
0xd5: {  	s9 =	rddreg [dreg:$0x5];
	vm0 =	veq.s32 v23, $0x2;
	[tilespmem:s17+$0x0] =	vst.add.f32.msk $0xffff, v20;
	v20 =	vadd.f32 v22, v21  }
0xd6: {  	vm1 =	veq.s32 v23, $0x4;
	s10 =	rddreg [dreg:$0x6];
	v21 =	vsel vm11, $0x3F800000, v1;
	v22 =	vsel vm0, $0x3F800000, v1;
	[tilespmem:s9+$0x0] =	vst.add.f32.msk $0xffff, v19  }
0xd7: {  	s1 =	rddreg [dreg:$0xb];
	v18 =	vsel vm15, $0x3F800000, v1;
	vm0 =	veq.s32 v23, $0x3;
	[tilespmem:s10+$0x0] =	vst.add.f32.msk $0xffff, v20;
	v20 =	vadd.f32 v22, v21  }
0xd8: {  	s30 =	rddreg [dreg:$0x13];
	v19 =	vsel vm12, $0x3F800000, v1;
	v21 =	vsel vm0, $0x3F800000, v1;
	vm0 =	veq.s32 v23, $0x5;
	[tilespmem:s11+$0x0] =	vst.add.f32.msk $0xffff, v17  }
0xd9: {  	s31 =	rddreg [dreg:$0x14];
	v17 =	vsel vm1, $0x3F800000, v1;
	v22 =	vsel vm0, $0x3F800000, v1;
	v19 =	vadd.f32 v21, v19;
	[tilespmem:s12+$0x0] =	vst.add.f32.msk $0xffff, v20  }
0xda: {  	s4 =	rddreg [dreg:$0x16];
	vm0 =	veq.s32 v23, $0x6;
	vm1 =	veq.s32 v23, $0x7;
	v20 =	vsel vm10, $0x3F800000, v1;
	[tilespmem:s13+$0x0] =	vst.add.f32.msk $0xffff, v16  }
0xdb: {  	s0 =	rddreg [dreg:$0x15];
	v63 =	vsel vm1, $0x3F800000, v1;
	vm1 =	veq.s32 v23, $0x9;
	v17 =	vadd.f32 v17, v20;
	[tilespmem:s14+$0x0] =	vst.add.f32.msk $0xffff, v19  }
0xdc: {  	s8 =	rddreg [dreg:$0xc];
	v16 =	vsel vm0, $0x3F800000, v1;
	vm0 =	veq.s32 v23, $0x8;
	v19 =	vsel vm9, $0x3F800000, v1;
	[tilespmem:s1+$0x0] =	vst.add.f32.msk $0xffff, v15  }
0xdd: {  	s9 =	rddreg [dreg:$0xd];
	v20 =	vsel vm1, $0x3F800000, v1;
	vm1 =	veq.s32 v23, $0xB;
	[tilespmem:s8+$0x0] =	vst.add.f32.msk $0xffff, v17;
	v17 =	vadd.f32 v22, v19  }
0xde: {  	s10 =	rddreg [dreg:$0xe];
	v15 =	vsel vm0, $0x3F800000, v1;
	vm0 =	veq.s32 v23, $0xA;
	v22 =	vsel vm8, $0x3F800000, v1;
	[tilespmem:s9+$0x0] =	vst.add.f32.msk $0xffff, v14  }
0xdf: {  	s11 =	rddreg [dreg:$0xf];
	v21 =	vsel vm0, $0x3F800000, v1;
	v19 =	vsel vm1, $0x3F800000, v1;
	v14 =	vadd.f32 v16, v22;
	[tilespmem:s10+$0x0] =	vst.add.f32.msk $0xffff, v17  }
0xe0: {  	s5 =	simm.s32 $0x10;
	s12 =	rddreg [dreg:$0x10];
	vm0 =	veq.s32 v23, $0xC;
	vm1 =	veq.s32 v23, $0xD;
	v16 =	vsel vm7, $0x3F800000, v1;
	[tilespmem:s11+$0x0] =	vst.add.f32.msk $0xffff, v13  }
0xe1: {  	s6 =	simm.s32 $0x2A10;
	s7 =	simm.s32 $0x2610;
	s13 =	rddreg [dreg:$0x11];
	v22 =	vsel vm0, $0x3F800000, v1;
	vm0 =	veq.s32 v23, $0xE;
	v13 =	vadd.f32 v63, v16;
	[tilespmem:s12+$0x0] =	vst.add.f32.msk $0xffff, v14  }
0xe2: {  	s14 =	rddreg [dreg:$0x12];
	s8 =	simm.s32 $0x2810;
	s9 =	simm.s32 $0x2210;
	v17 =	vsel vm1, $0x3F800000, v1;
	vm1 =	veq.s32 v23, $0xF;
	v14 =	vsel vm6, $0x3F800000, v1;
	[tilespmem:s13+$0x0] =	vst.add.f32.msk $0xffff, v12  }
0xe3: {  	v23 =	vsel vm0, $0x3F800000, v1;
	s10 =	simm.s32 $0x2410;
	v16 =	vsel vm1, $0x3F800000, v1;
	s11 =	simm.s32 $0x0;
	s12 =	simm.s32 $0x2000;
	v12 =	vadd.f32 v15, v14;
	[tilespmem:s14+$0x0] =	vst.add.f32.msk $0xffff, v13  }
.LBB2_2:
0xe4: {  	[tilespmem:s30+$0x0] =	vst.add.f32.msk $0xffff, v11  }
0xe5: {  	[tilespmem:s31+$0x0] =	vst.add.f32.msk $0xffff, v12  }
0xe6: {  	v11 =	vadd.f32 v20, v18;
	[tilespmem:s0+$0x0] =	vst.add.f32.msk $0xffff, v10  }
0xe7: {  	v10 =	vld [tilespmem:$0x1FFE0]  }
0xe8: {  	s13 =	rddreg [dreg:$0x17];
	[tilespmem:s4+$0x0] =	vst.add.f32.msk $0xffff, v11  }
0xe9: {  	[tilespmem:s13+$0x0] =	vst.add.f32.msk $0xffff, v9  }
0xea: {  	v9 =	vld [tilespmem:$0x1FFF0];
	_ =	sdelay $0x2  }
0xeb: {  	vm0 =	vnez.u8 v10  }
0xec: {  	v10 =	vsel vm0, $0x3F800000, v1  }
0xed: {  	v10 =	vadd.f32 v21, v10;
	vm0 =	vnez.u8 v9  }
0xee: {  	v9 =	vsel vm0, $0x3F800000, v1  }
0xef: {  	[tilespmem:s18+$0x0] =	vst.add.f32.msk $0xffff, v10;
	v9 =	vadd.f32 v19, v9  }
0xf0: {  	[tilespmem:s19+$0x0] =	vst.add.f32.msk $0xffff, v8;
	v8 =	vsel vm5, $0x3F800000, v1  }
0xf1: {  	[tilespmem:s20+$0x0] =	vst.add.f32.msk $0xffff, v9;
	v8 =	vadd.f32 v22, v8  }
0xf2: {  	[tilespmem:s21+$0x0] =	vst.add.f32.msk $0xffff, v7;
	v7 =	vsel vm4, $0x3F800000, v1  }
0xf3: {  	[tilespmem:s22+$0x0] =	vst.add.f32.msk $0xffff, v8;
	v7 =	vadd.f32 v17, v7  }
0xf4: {  	[tilespmem:s23+$0x0] =	vst.add.f32.msk $0xffff, v6;
	v6 =	vsel vm3, $0x3F800000, v1  }
0xf5: {  	[tilespmem:s24+$0x0] =	vst.add.f32.msk $0xffff, v7;
	v6 =	vadd.f32 v23, v6  }
0xf6: {  	[tilespmem:s25+$0x0] =	vst.add.f32.msk $0xffff, v5;
	v5 =	vsel vm2, $0x3F800000, v1  }
0xf7: {  	s11 =	sadd.s32 $0x80, s11;
	s30 =	smov.u32 s5;
	[tilespmem:s26+$0x0] =	vst.add.f32.msk $0xffff, v6;
	v5 =	vadd.f32 v16, v5  }
0xf8: {  	s31 =	sand.u32 $0x70, s30;
	s14 =	sand.u32 $0xC00, s11;
	[tilespmem:s28+$0x0] =	vst.add.f32.msk $0xffff, v4  }
0xf9: {  	s31 =	sor.u32 s31, s14;
	[tilespmem:s29+$0x0] =	vst.add.f32.msk $0xffff, v5  }
0xfa: {  	v5 =	vld [tilespmem:s31+$0x0]  }
0xfb: {  	v6 =	vld [tilespmem:s31+$0x80]  }
0xfc: {  	v4 =	vld [tilespmem:s31+$0x100]  }
0xfd: {  	v8 =	vld [tilespmem:s31+$0x180]  }
0xfe: {  	v9 =	vld [tilespmem:s31+$0x200]  }
0xff: {  	v10 =	vld [tilespmem:s31+$0x280]  }
0x100: {  	v11 =	vld [tilespmem:s31+$0x300];
	v12 =	vmax.f32 v5, v6  }
0x101: {  	v13 =	vld [tilespmem:s31+$0x380];
	v12 =	vmax.f32 v12, v4  }
0x102: {  	v14 =	vld [tilespmem:s31+$0x1000];
	v12 =	vmax.f32 v12, v8  }
0x103: {  	v15 =	vld [tilespmem:s31+$0x1080];
	v12 =	vmax.f32 v12, v9  }
0x104: {  	v16 =	vld [tilespmem:s31+$0x1100];
	v12 =	vmax.f32 v12, v10  }
0x105: {  	v17 =	vld [tilespmem:s31+$0x1180];
	v12 =	vmax.f32 v12, v11  }
0x106: {  	v18 =	vld [tilespmem:s31+$0x1200];
	v12 =	vmax.f32 v12, v13  }
0x107: {  	v19 =	vld [tilespmem:s31+$0x1280];
	v12 =	vmax.f32 v12, v14  }
0x108: {  	v20 =	vld [tilespmem:s31+$0x1300];
	v12 =	vmax.f32 v12, v15  }
0x109: {  	v7 =	vld [tilespmem:s31+$0x1380];
	v12 =	vmax.f32 v12, v16  }
0x10a: {  	v12 =	vmax.f32 v12, v17  }
0x10b: {  	v12 =	vmax.f32 v12, v18  }
0x10c: {  	v12 =	vmax.f32 v12, v19  }
0x10d: {  	v12 =	vmax.f32 v12, v20  }
0x10e: {  	v12 =	vmax.f32 v12, v7  }
0x10f: {  	v5 =	vsub.f32 v5, v12  }
0x110: {  	v6 =	vsub.f32 v6, v12  }
0x111: {  	v5 =	vmul.f32 $1.442695020e+00, v5  }
0x112: {  	v4 =	vsub.f32 v4, v12;
	v6 =	vmul.f32 $1.442695020e+00, v6  }
0x113: {  	v8 =	vsub.f32 v8, v12;
	(erf) = vpow2.f32 v5  }
0x114: {  	v4 =	vmul.f32 $1.442695020e+00, v4;
	(erf) = vpow2.f32 v6  }
0x115: {  	v8 =	vmul.f32 $1.442695020e+00, v8  }
0x116: {  	v9 =	vsub.f32 v9, v12;
	v10 =	vsub.f32 v10, v12;
	(erf) = vpow2.f32 v4  }
0x117: {  	v11 =	vsub.f32 v11, v12;
	(erf) = vpow2.f32 v8  }
0x118: {  	v7 =	vsub.f32 v7, v12;
	v9 =	vmul.f32 $1.442695020e+00, v9;
	v5 =	vmul.f32 $1.442695020e+00, v10  }
0x119: {  	v10 =	vsub.f32 v13, v12;
	v6 =	vmul.f32 $1.442695020e+00, v11;
	v11 =	vsub.f32 v14, v12  }
0x11a: {  	v13 =	vsub.f32 v15, v12;
	v14 =	vsub.f32 v16, v12;
	(erf) = vpow2.f32 v9  }
0x11b: {  	v16 =	vsub.f32 v20, v12;
	v10 =	vmul.f32 $1.442695020e+00, v10;
	v4 =	vmul.f32 $1.442695020e+00, v11  }
0x11c: {  	v11 =	vsub.f32 v17, v12;
	v8 =	vmul.f32 $1.442695020e+00, v13;
	v15 =	vpop (erf);
	(erf) = vpow2.f32 v5  }
0x11d: {  	v13 =	vmul.f32 $1.442695020e+00, v14;
	v14 =	vsub.f32 v18, v12;
	v17 =	vsub.f32 v19, v12;
	v5 =	vpop (erf)  }
0x11e: {  	v12 =	vmul.f32 $1.442695020e+00, v16;
	(erf) = vpow2.f32 v6;
	v16 =	vadd.f32 v5, v15  }
0x11f: {  	v6 =	vpop (erf)  }
0x120: {  	v18 =	vpop (erf);
	(erf) = vpow2.f32 v10;
	v16 =	vadd.f32 v16, v6;
	_ =	sdelay $0x1  }
0x121: {  	(erf) = vpow2.f32 v4;
	v10 =	vadd.f32 v16, v18  }
0x122: {  	v4 =	vpop (erf)  }
0x123: {  	(erf) = vpow2.f32 v8;
	v10 =	vadd.f32 v10, v4  }
0x124: {  	v11 =	vmul.f32 $1.442695020e+00, v11;
	v8 =	vpop (erf)  }
0x125: {  	(erf) = vpow2.f32 v13;
	v10 =	vadd.f32 v10, v8  }
0x126: {  	v13 =	vpop (erf)  }
0x127: {  	v14 =	vmul.f32 $1.442695020e+00, v14;
	(erf) = vpow2.f32 v11;
	v10 =	vadd.f32 v10, v13  }
0x128: {  	v9 =	vmul.f32 $1.442695020e+00, v17;
	v11 =	vpop (erf)  }
0x129: {  	(erf) = vpow2.f32 v14;
	v10 =	vadd.f32 v10, v11  }
0x12a: {  	v21 =	vpop (erf)  }
0x12b: {  	(erf) = vpow2.f32 v9;
	v10 =	vadd.f32 v10, v21  }
0x12c: {  	v7 =	vmul.f32 $1.442695020e+00, v7;
	v9 =	vpop (erf)  }
0x12d: {  	(erf) = vpow2.f32 v12;
	v10 =	vadd.f32 v10, v9  }
0x12e: {  	v22 =	vpop (erf)  }
0x12f: {  	(erf) = vpow2.f32 v7;
	v10 =	vadd.f32 v10, v22  }
0x130: {  	v7 =	vpop (erf)  }
0x131: {  	v10 =	vadd.f32 v10, v7  }
0x132: {  	v23 =	vpop (erf)  }
0x133: {  	v10 =	vadd.f32 v10, v23  }
0x134: {  	v24 =	vpop (erf)  }
0x135: {  	v10 =	vadd.f32 v10, v24  }
0x136: {  	v25 =	vpop (erf)  }
0x137: {  	v10 =	vadd.f32 v10, v25  }
0x138: {  	v26 =	vpop (erf)  }
0x139: {  	v10 =	vadd.f32 v10, v26;
	_ =	sdelay $0x1  }
0x13a: {  	(erf) = vrcp.f32 v10;
	_ =	sdelay $0x8  }
0x13b: {  	v27 =	vpop (erf)  }
0x13c: {  	v20 =	vmul.f32 v27, v15;
	v19 =	vmul.f32 v27, v5  }
0x13d: {  	v17 =	vmul.f32 v27, v6  }
0x13e: {  	v16 =	vmul.f32 v27, v18;
	v5 =	vmax.f32 v20, v19  }
0x13f: {  	v15 =	vmul.f32 v27, v4;
	v4 =	vmax.f32 v5, v17  }
0x140: {  	v14 =	vmul.f32 v27, v8;
	v4 =	vmax.f32 v4, v16  }
0x141: {  	v13 =	vmul.f32 v27, v13;
	v4 =	vmax.f32 v4, v15  }
0x142: {  	v12 =	vmul.f32 v27, v11;
	v4 =	vmax.f32 v4, v14  }
0x143: {  	v11 =	vmul.f32 v27, v21;
	v4 =	vmax.f32 v4, v13  }
0x144: {  	v10 =	vmul.f32 v27, v9;
	v4 =	vmax.f32 v4, v12  }
0x145: {  	v9 =	vmul.f32 v27, v22;
	v4 =	vmax.f32 v4, v11  }
0x146: {  	v8 =	vmul.f32 v27, v7;
	v4 =	vmax.f32 v4, v10  }
0x147: {  	v7 =	vmul.f32 v27, v23;
	v4 =	vmax.f32 v4, v9  }
0x148: {  	v6 =	vmul.f32 v27, v24;
	v4 =	vmax.f32 v4, v8  }
0x149: {  	v5 =	vmul.f32 v27, v25;
	v18 =	vmax.f32 v4, v7  }
0x14a: {  	v4 =	vmul.f32 v27, v26;
	v18 =	vmax.f32 v18, v6  }
0x14b: {  	v18 =	vmax.f32 v18, v5  }
0x14c: {  	v21 =	vmax.f32 v18, v4  }
0x14d: {  	vm2 =	veq.f32 v4, v21  }
0x14e: {  	vm1 =	veq.f32 v5, v21;
	v18 =	vsel vm2, $0xF, v2  }
0x14f: {  	vm4 =	veq.f32 v6, v21;
	v18 =	vsel vm1, $0xE, v18  }
0x150: {  	vm5 =	veq.f32 v7, v21;
	v18 =	vsel vm4, $0xD, v18  }
0x151: {  	vm6 =	veq.f32 v8, v21;
	v18 =	vsel vm5, $0xC, v18  }
0x152: {  	vm7 =	veq.f32 v9, v21;
	v18 =	vsel vm6, $0xB, v18  }
0x153: {  	vm8 =	veq.f32 v10, v21;
	v18 =	vsel vm7, $0xA, v18  }
0x154: {  	vm9 =	veq.f32 v11, v21;
	v18 =	vsel vm8, $0x9, v18  }
0x155: {  	vm0 =	veq.f32 v12, v21;
	v18 =	vsel vm9, $0x8, v18  }
0x156: {  	vm3 =	veq.f32 v13, v21;
	v18 =	vsel vm0, $0x7, v18  }
0x157: {  	vm2 =	veq.f32 v14, v21;
	v18 =	vsel vm3, $0x6, v18  }
0x158: {  	vm1 =	veq.f32 v15, v21;
	v18 =	vsel vm2, $0x5, v18  }
0x159: {  	vm4 =	veq.f32 v16, v21;
	v18 =	vsel vm1, $0x4, v18  }
0x15a: {  	vm5 =	veq.f32 v17, v21;
	v18 =	vsel vm4, $0x3, v18  }
0x15b: {  	v28 =	vimm.s32 $0x0;
	vm6 =	veq.f32 v19, v21;
	v18 =	vsel vm5, $0x2, v18  }
0x15c: {  	v58 =	vimm.s32 $0x0;
	vm7 =	veq.f32 v20, v21;
	v18 =	vsel vm6, $0x1, v18  }
0x15d: {  	v30 =	vimm.s32 $0x0;
	v60 =	vimm.s32 $0x0;
	v22 =	vsel vm7, $0x0, v18  }
0x15e: {  	v34 =	vimm.s32 $0x0;
	v18 =	vimm.s32 $0x0;
	vm0 =	veq.s32 v22, $0x0  }
0x15f: {  	vm12 =	veq.s32 v22, $0x1;
	vm13 =	veq.s32 v22, $0x2;
	vm14 =	veq.s32 v22, $0x3  }
0x160: {  	vm1 =	veq.s32 v22, $0x5;
	vm2 =	veq.s32 v22, $0xA;
	v18 =	vsel vm0, $0xFFFFFFFF, v18  }
0x161: {  	v23 =	vsel vm0, $0xFF800000, v20;
	vm0 =	veq.s32 v22, $0x4;
	[tilespmem:$0x1FF70] =	vst v18;
	v18 =	vimm.s32 $0x0  }
0x162: {  	v54 =	vsel vm12, $0xFF800000, v19;
	v55 =	vsel vm13, $0xFF800000, v17;
	v18 =	vsel vm0, $0xFFFFFFFF, v18  }
0x163: {  	v56 =	vsel vm14, $0xFF800000, v16;
	v28 =	vsel vm1, $0xFFFFFFFF, v28;
	[tilespmem:$0x1FF80] =	vst v18;
	v18 =	vmax.f32 v23, v54  }
0x164: {  	v59 =	vsel vm1, $0xFF800000, v14;
	vm1 =	veq.s32 v22, $0x7;
	v18 =	vmax.f32 v18, v55  }
0x165: {  	v57 =	vsel vm0, $0xFF800000, v15;
	vm0 =	veq.s32 v22, $0x6;
	v18 =	vmax.f32 v18, v56  }
0x166: {  	[tilespmem:$0x1FFA0] =	vst v28;
	v30 =	vsel vm1, $0xFFFFFFFF, v30;
	v28 =	vsel vm0, $0xFFFFFFFF, v58;
	v18 =	vmax.f32 v18, v57  }
0x167: {  	v29 =	vsel vm0, $0xFF800000, v13;
	vm0 =	veq.s32 v22, $0x8;
	v18 =	vmax.f32 v18, v59  }
0x168: {  	v61 =	vsel vm1, $0xFF800000, v12;
	[tilespmem:$0x1FFC0] =	vst v30;
	v30 =	vsel vm0, $0xFFFFFFFF, v60;
	v18 =	vmax.f32 v18, v29  }
0x169: {  	v31 =	vsel vm0, $0xFF800000, v11;
	vm0 =	veq.s32 v22, $0x9;
	v18 =	vmax.f32 v18, v61  }
0x16a: {  	vm11 =	veq.s32 v22, $0xC;
	v32 =	vsel vm0, $0xFF800000, v10;
	v18 =	vmax.f32 v18, v31  }
0x16b: {  	v62 =	vsel vm2, $0xFF800000, v9;
	vm1 =	veq.s32 v22, $0xB;
	v18 =	vmax.f32 v18, v32  }
0x16c: {  	vm9 =	veq.s32 v22, $0xD;
	v63 =	vsel vm1, $0xFF800000, v8;
	v18 =	vmax.f32 v18, v62  }
0x16d: {  	vm6 =	veq.s32 v22, $0xE;
	v35 =	vsel vm11, $0xFF800000, v7;
	v18 =	vmax.f32 v18, v63  }
0x16e: {  	v36 =	vsel vm9, $0xFF800000, v6;
	v42 =	vsel vm6, $0xFF800000, v5;
	v18 =	vmax.f32 v18, v35  }
0x16f: {  	v34 =	vsel vm1, $0xFFFFFFFF, v34;
	vm1 =	veq.s32 v22, $0xF;
	v38 =	vmax.f32 v18, v36  }
0x170: {  	v39 =	vsel vm1, $0xFF800000, v4;
	v38 =	vmax.f32 v38, v42  }
0x171: {  	v37 =	vimm.s32 $0x0;
	v38 =	vmax.f32 v38, v39  }
0x172: {  	v37 =	vsel vm1, $0xFFFFFFFF, v37;
	vm1 =	veq.f32 v39, v38  }
0x173: {  	vm3 =	veq.f32 v42, v38;
	v43 =	vsel vm1, $0xF, v2  }
0x174: {  	vm4 =	veq.f32 v36, v38;
	v44 =	vsel vm3, $0xE, v43  }
0x175: {  	vm5 =	veq.f32 v35, v38;
	v45 =	vsel vm4, $0xD, v44  }
0x176: {  	v18 =	vsel vm0, $0x3F800000, v1;
	vm0 =	veq.f32 v63, v38;
	v46 =	vsel vm5, $0xC, v45  }
0x177: {  	vm1 =	veq.f32 v62, v38;
	v47 =	vsel vm0, $0xB, v46  }
0x178: {  	vm0 =	veq.f32 v32, v38;
	v48 =	vsel vm1, $0xA, v47  }
0x179: {  	vm7 =	veq.f32 v31, v38;
	vm1 =	veq.f32 v23, v38;
	v23 =	vsel vm0, $0x9, v48  }
0x17a: {  	vm15 =	veq.f32 v61, v38;
	v23 =	vsel vm7, $0x8, v23  }
0x17b: {  	vm10 =	veq.f32 v29, v38;
	v23 =	vsel vm15, $0x7, v23  }
0x17c: {  	vm8 =	veq.f32 v59, v38;
	v23 =	vsel vm10, $0x6, v23  }
0x17d: {  	vm3 =	veq.f32 v57, v38;
	v23 =	vsel vm8, $0x5, v23  }
0x17e: {  	s12 =	sadd.s32 $0x10, s12;
	vm4 =	veq.f32 v56, v38;
	v23 =	vsel vm3, $0x4, v23  }
0x17f: {  	v33 =	vimm.s32 $0x0;
	[tilespmem:s12+$0x0] =	vst v22;
	v22 =	vld [tilespmem:$0x1FF70];
	vm5 =	veq.f32 v55, v38;
	v23 =	vsel vm4, $0x3, v23  }
0x180: {  	v33 =	vsel vm2, $0xFFFFFFFF, v33;
	vm2 =	veq.f32 v54, v38;
	v23 =	vsel vm5, $0x2, v23  }
0x181: {  	v23 =	vsel vm2, $0x1, v23  }
0x182: {  	v53 =	vsel vm1, $0x0, v23  }
0x183: {  	s14 =	rddreg [dreg:$0x4];
	[tilespmem:s9+$0x0] =	vst v53  }
0x184: {  	s0 =	sadd.s32 s30, s14;
	vm0 =	vnez.u8 v22;
	[tilespmem:s10+$0x0] =	vst v21  }
0x185: {  	v50 =	vor.u32 s0, v0;
	v22 =	vsel vm0, $0x3F800000, v1;
	vm0 =	veq.s32 v53, $0x0;
	[tilespmem:s7+$0x0] =	vst v38  }
0x186: {  	v49 =	vor.u32 s0, v3;
	v21 =	vsel vm0, $0x3F800000, v1;
	[tilespmem:s8+$0x0] =	vst v50  }
0x187: {  	vm1 =	veq.s32 v53, $0x1;
	v21 =	vadd.f32 v21, v22;
	[tilespmem:s6+$0x0] =	vst v49  }
0x188: {  	s1 =	rddreg [dreg:$0x16];
	v23 =	vsel vm12, $0x3F800000, v1;
	v54 =	vsel vm1, $0x3F800000, v1;
	[tilespmem:s16+$0x0] =	vst.add.f32.msk $0xffff, v20  }
0x189: {  	s4 =	smov.u32 s1;
	s1 =	rddreg [dreg:$0x5];
	vm2 =	veq.s32 v53, $0x2;
	[tilespmem:s17+$0x0] =	vst.add.f32.msk $0xffff, v21;
	v21 =	vadd.f32 v54, v23  }
0x18a: {  	s14 =	rddreg [dreg:$0x6];
	v51 =	vsel vm13, $0x3F800000, v1;
	v55 =	vsel vm2, $0x3F800000, v1;
	[tilespmem:s1+$0x0] =	vst.add.f32.msk $0xffff, v19  }
0x18b: {  	s13 =	rddreg [dreg:$0x7];
	v22 =	vadd.f32 v55, v51;
	[tilespmem:s14+$0x0] =	vst.add.f32.msk $0xffff, v21  }
0x18c: {  	s0 =	rddreg [dreg:$0x8];
	[tilespmem:s13+$0x0] =	vst.add.f32.msk $0xffff, v17  }
0x18d: {  	s14 =	rddreg [dreg:$0x9];
	[tilespmem:s0+$0x0] =	vst.add.f32.msk $0xffff, v22  }
0x18e: {  	vm0 =	veq.s32 v53, $0x3;
	[tilespmem:s14+$0x0] =	vst.add.f32.msk $0xffff, v16  }
0x18f: {  	v56 =	vsel vm0, $0x3F800000, v1;
	vm0 =	veq.s32 v53, $0x6;
	v16 =	vld [tilespmem:$0x1FF80]  }
0x190: {  	v59 =	vsel vm0, $0x3F800000, v1;
	vm0 =	veq.s32 v53, $0x8  }
0x191: {  	v61 =	vsel vm0, $0x3F800000, v1;
	vm0 =	veq.s32 v53, $0x9  }
0x192: {  	v52 =	vsel vm14, $0x3F800000, v1;
	v20 =	vsel vm0, $0x3F800000, v1;
	vm0 =	veq.s32 v53, $0xA  }
0x193: {  	v25 =	vadd.f32 v56, v52;
	v21 =	vsel vm0, $0x3F800000, v1;
	vm0 =	veq.s32 v53, $0xC  }
0x194: {  	vm1 =	veq.s32 v53, $0x4;
	s13 =	rddreg [dreg:$0xa];
	v22 =	vsel vm0, $0x3F800000, v1;
	vm0 =	vnez.u8 v16  }
0x195: {  	v57 =	vsel vm1, $0x3F800000, v1;
	s0 =	rddreg [dreg:$0xb];
	[tilespmem:s13+$0x0] =	vst.add.f32.msk $0xffff, v25;
	v16 =	vsel vm0, $0x3F800000, v1  }
0x196: {  	[tilespmem:s0+$0x0] =	vst.add.f32.msk $0xffff, v15;
	v63 =	vadd.f32 v57, v16  }
0x197: {  	[tilespmem:$0x1FFB0] =	vst v28;
	s14 =	rddreg [dreg:$0xc];
	v15 =	vld [tilespmem:$0x1FFA0]  }
0x198: {  	s13 =	rddreg [dreg:$0xd];
	[tilespmem:s14+$0x0] =	vst.add.f32.msk $0xffff, v63  }
0x199: {  	[tilespmem:s13+$0x0] =	vst.add.f32.msk $0xffff, v14  }
0x19a: {  	v14 =	vld [tilespmem:$0x1FFB0]  }
0x19b: {  	vm0 =	veq.s32 v53, $0xF  }
0x19c: {  	vm2 =	veq.s32 v53, $0x5;
	v16 =	vsel vm0, $0x3F800000, v1;
	vm0 =	vnez.u8 v15  }
0x19d: {  	v58 =	vsel vm2, $0x3F800000, v1;
	v15 =	vsel vm0, $0x3F800000, v1  }
0x19e: {  	v15 =	vadd.f32 v58, v15  }
0x19f: {  	s0 =	rddreg [dreg:$0xe];
	vm0 =	vnez.u8 v14  }
0x1a0: {  	s14 =	rddreg [dreg:$0xf];
	[tilespmem:s0+$0x0] =	vst.add.f32.msk $0xffff, v15;
	v14 =	vsel vm0, $0x3F800000, v1  }
0x1a1: {  	[tilespmem:s14+$0x0] =	vst.add.f32.msk $0xffff, v13;
	v14 =	vadd.f32 v59, v14  }
0x1a2: {  	[tilespmem:$0x1FFD0] =	vst v30;
	s13 =	rddreg [dreg:$0x10];
	v13 =	vld [tilespmem:$0x1FFC0]  }
0x1a3: {  	s0 =	rddreg [dreg:$0x11];
	[tilespmem:s13+$0x0] =	vst.add.f32.msk $0xffff, v14  }
0x1a4: {  	[tilespmem:s0+$0x0] =	vst.add.f32.msk $0xffff, v12  }
0x1a5: {  	v12 =	vld [tilespmem:$0x1FFD0]  }
0x1a6: {  	[tilespmem:$0x1FF90] =	vst v37  }
0x1a7: {  	p0 =	sne.s32 s5, $0x1F0;
	v62 =	vld [tilespmem:$0x1FF90];
	vm3 =	vmmov vm6;
	vm4 =	vmmov vm9;
	vm5 =	vmmov vm11  }
.Ltmp0:
0x1a8: {  	vm1 =	veq.s32 v53, $0x7;
	vm2 =	veq.s32 v53, $0xE;
	vm0 =	vnez.u8 v13;
	(pc) =	sbr.rel @p0 .LBB2_2-.Ltmp0, $4  }
0x1a9: {  	s30 =	rddreg [dreg:$0x13];
	v60 =	vsel vm1, $0x3F800000, v1;
	vm1 =	veq.s32 v53, $0xB;
	v13 =	vsel vm0, $0x3F800000, v1  }
0x1aa: {  	s5 =	sadd.s32 $0x10, s5;
	s31 =	rddreg [dreg:$0x14];
	[tilespmem:$0x1FFE0] =	vst v33;
	s9 =	sadd.s32 $0x10, s9;
	v23 =	vsel vm2, $0x3F800000, v1;
	v13 =	vadd.f32 v60, v13;
	vm0 =	vnez.u8 v12  }
0x1ab: {  	[tilespmem:$0x1FFF0] =	vst v34;
	s10 =	sadd.s32 $0x10, s10;
	s7 =	sadd.s32 $0x10, s7;
	v19 =	vsel vm1, $0x3F800000, v1;
	vm1 =	veq.s32 v53, $0xD;
	s14 =	rddreg [dreg:$0x12];
	v12 =	vsel vm0, $0x3F800000, v1  }
0x1ac: {  	s8 =	sadd.s32 $0x10, s8;
	s6 =	sadd.s32 $0x10, s6;
	vm2 =	vnez.u8 v62;
	v17 =	vsel vm1, $0x3F800000, v1;
	s0 =	rddreg [dreg:$0x15];
	[tilespmem:s14+$0x0] =	vst.add.f32.msk $0xffff, v13;
	v12 =	vadd.f32 v61, v12  }
0x1ad: {  	v59 =	vld [tilespmem:$0x1FFE0];
	_ =	sdelay $0x1  }
0x1ae: {  	v60 =	vld [tilespmem:$0x1FFF0];
	_ =	sdelay $0x1  }
0x1af: {  	[tilespmem:s30+$0x0] =	vst.add.f32.msk $0xffff, v11  }
0x1b0: {  	v58 =	vadd.f32 v20, v18;
	[tilespmem:s31+$0x0] =	vst.add.f32.msk $0xffff, v12;
	vm0 =	vnez.u8 v59  }
0x1b1: {  	[tilespmem:s0+$0x0] =	vst.add.f32.msk $0xffff, v10;
	v10 =	vsel vm0, $0x3F800000, v1  }
0x1b2: {  	s1 =	rddreg [dreg:$0x17];
	[tilespmem:s4+$0x0] =	vst.add.f32.msk $0xffff, v58;
	vm15 =	vnez.u8 v60;
	v10 =	vadd.f32 v21, v10  }
0x1b3: {  	[tilespmem:s1+$0x0] =	vst.add.f32.msk $0xffff, v9;
	v9 =	vsel vm15, $0x3F800000, v1  }
0x1b4: {  	v9 =	vadd.f32 v19, v9;
	[tilespmem:s18+$0x0] =	vst.add.f32.msk $0xffff, v10  }
0x1b5: {  	v61 =	vsel vm5, $0x3F800000, v1;
	[tilespmem:s19+$0x0] =	vst.add.f32.msk $0xffff, v8  }
0x1b6: {  	v8 =	vadd.f32 v22, v61;
	[tilespmem:s20+$0x0] =	vst.add.f32.msk $0xffff, v9  }
0x1b7: {  	v62 =	vsel vm4, $0x3F800000, v1;
	[tilespmem:s21+$0x0] =	vst.add.f32.msk $0xffff, v7  }
0x1b8: {  	v7 =	vadd.f32 v17, v62;
	[tilespmem:s22+$0x0] =	vst.add.f32.msk $0xffff, v8  }
0x1b9: {  	v63 =	vsel vm3, $0x3F800000, v1;
	[tilespmem:s23+$0x0] =	vst.add.f32.msk $0xffff, v6  }
0x1ba: {  	v6 =	vadd.f32 v23, v63;
	[tilespmem:s24+$0x0] =	vst.add.f32.msk $0xffff, v7  }
0x1bb: {  	[tilespmem:s25+$0x0] =	vst.add.f32.msk $0xffff, v5;
	v5 =	vsel vm2, $0x3F800000, v1  }
0x1bc: {  	[tilespmem:s26+$0x0] =	vst.add.f32.msk $0xffff, v6;
	v5 =	vadd.f32 v16, v5  }
0x1bd: {  	[tilespmem:s28+$0x0] =	vst.add.f32.msk $0xffff, v4  }
0x1be: {  	s8 =	rddreg [dreg:$0x19];
	s5 =	simm.s32 $0x2000;
	[tilespmem:s29+$0x0] =	vst.add.f32.msk $0xffff, v5  }
0x1bf: {  	[hbm4b:s8+s2] =	stream.linear.scatter [tilespmem:s5], [sflag:$0x1], $0x200, $0x38;
	[tilespmem:$0x3C00] =	vst v63  }
0x1c0: {  	_ =	swait.ge [sflag:s15], $0x200  }
0x1c1: {  	[sflag:s15] =	ssyncset.done $0x0  }
0x1c2: {  	s6 =	simm.s32 $0x2200;
	s9 =	rddreg [dreg:$0x1a];
	[sflag:s15] =	ssyncadd.s32 $0xFFFFFE00  }
0x1c3: {  	[hbm4b:s9+s2] =	stream.linear.scatter [tilespmem:s6], [sflag:$0x1], $0x200, $0x38;
	[tilespmem:$0x3C00] =	vst v63  }
0x1c4: {  	_ =	swait.ge [sflag:s15], $0x200  }
0x1c5: {  	[sflag:s15] =	ssyncset.done $0x0  }
0x1c6: {  	s7 =	simm.s32 $0x2400;
	s10 =	rddreg [dreg:$0x1b];
	[sflag:s15] =	ssyncadd.s32 $0xFFFFFE00  }
0x1c7: {  	[hbm4b:s10+s2] =	stream.linear.scatter [tilespmem:s7], [sflag:$0x1], $0x200, $0x38;
	[tilespmem:$0x3C00] =	vst v63  }
0x1c8: {  	_ =	swait.ge [sflag:s15], $0x200  }
0x1c9: {  	[sflag:s15] =	ssyncset.done $0x0  }
0x1ca: {  	s8 =	simm.s32 $0x2600;
	s11 =	rddreg [dreg:$0x1c];
	[sflag:s15] =	ssyncadd.s32 $0xFFFFFE00  }
0x1cb: {  	[hbm4b:s11+s2] =	stream.linear.scatter [tilespmem:s8], [sflag:$0x1], $0x200, $0x38;
	[tilespmem:$0x3C00] =	vst v63  }
0x1cc: {  	_ =	swait.ge [sflag:s15], $0x200  }
0x1cd: {  	[sflag:s15] =	ssyncset.done $0x0  }
0x1ce: {  	s9 =	simm.s32 $0x2800;
	s12 =	rddreg [dreg:$0x1d];
	[sflag:s15] =	ssyncadd.s32 $0xFFFFFE00  }
0x1cf: {  	[hbm4b:s12+s2] =	stream.linear.scatter [tilespmem:s9], [sflag:$0x1], $0x200, $0x38;
	[tilespmem:$0x3C00] =	vst v63  }
0x1d0: {  	_ =	swait.ge [sflag:s15], $0x200  }
0x1d1: {  	[sflag:s15] =	ssyncset.done $0x0  }
0x1d2: {  	s10 =	simm.s32 $0x2A00;
	s13 =	rddreg [dreg:$0x1e];
	[sflag:s15] =	ssyncadd.s32 $0xFFFFFE00  }
0x1d3: {  	[hbm4b:s13+s2] =	stream.linear.scatter [tilespmem:s10], [sflag:$0x1], $0x200, $0x38;
	[tilespmem:$0x3C00] =	vst v63  }
0x1d4: {  	_ =	swait.ge [sflag:s15], $0x200  }
0x1d5: {  	[sflag:s15] =	ssyncset.done $0x0  }
0x1d6: {  	s14 =	rddreg [dreg:$0x1f];
	[sflag:s15] =	ssyncadd.s32 $0xFFFFFE00  }
0x1d7: {  	[hbm4b:s14+s2] =	stream.linear.scatter [tilespmem:s16], [sflag:$0x1], $0x800, $0x38;
	[tilespmem:$0x3C00] =	vst v63  }
0x1d8: {  	_ =	swait.ge [sflag:s15], $0x800  }
0x1d9: {  	s30 =	sld [smem:$0x7FC]  }
0x1da: {  	[sflag:s15] =	ssyncset.done $0x0  }
0x1db: {  	[sflag:s15] =	ssyncadd.s32 $0xFFFFF800  }
0x1dc: {  	[hbm4b:s30+s2] =	stream.linear.scatter [tilespmem:s17], [sflag:$0x1], $0x800, $0x38;
	[tilespmem:$0x3C00] =	vst v63  }
0x1dd: {  	_ =	swait.ge [sflag:s15], $0x800  }
0x1de: {  	s31 =	sld [smem:$0x7FD];
	_ =	sdelay $0x1  }
0x1df: {  	s3 =	sadd.s32 $0x1, s3  }
0x1e0: {  	p0 =	sne.s32 s3, s31  }
.Ltmp1:
0x1e1: {  	_ = 	snop;
	(pc) =	sbr.rel @p0 .LBB2_1-.Ltmp1, $3  }
0x1e2: {  	_ =	sdelay $0x1  }
0x1e3: {  	[sflag:s15] =	ssyncset.done $0x0  }
0x1e4: {  	[sflag:s15] =	ssyncadd.s32 $0xFFFFF800  }
0x1e5: {  	_ =	sfence.sel $0x180000  }
0x1e6: {  	[bflag:$0x0] =	sbarrier.arrive $0xFFFF  }
0x1e7: {  	_ =	strace $0x90000047  }
0x1e8: {  	s0 =	stileid.u32;
	[bflag:$0x2] =	sbarrier.arrive $0xFFFF  }
0x1e9: {  	p0 =	sne.s32 s0, $0x0;
	s0 =	rddreg [dreg:$0x3]  }
0x1ea: {  	s0 =	sadd.s32 @!p0 $0x100000, s0  }
0x1eb: {  	[sflag:s0] =	ssyncadd.tile.s32 @!p0 $0x1;
	_ =	shalt  }
.Lfunc_end2:
_tile_overlayer_lowered:
.L_overlay_start_2:
0x1ec: {  	(tag) =	ssettag $0x2  }
0x1ed: {  	s0 =	rddreg [dreg:$0x0];
	s2 =	stileid.u32  }
0x1ee: {  	s1 =	rddreg [dreg:$0x1];
	p0 =	sne.s32 s2, $0x0  }
0x1ef: {  	s3 =	rddreg [dreg:$0x2];
	[bflag:$0x3] =	sbarrier.arrive $0xFFFF;
	s2 =	simm.s32 @!p0 $0x1C01  }
0x1f0: {  	[timem:s3], [sflag:s2] =	dma.local @!p0 [hbm:s0], s1  }
0x1f1: {  	s0 =	simm.s32 @!p0 $0x1  }
0x1f2: {  	_ =	swait.ge @!p0 [sflag:s0], s1  }
0x1f3: {  	s1 =	ssub.s32 @!p0 $0x0, s1;
	[sflag:s0] =	ssyncset.done @!p0 $0x0  }
0x1f4: {  	[sflag:s0] =	ssyncadd.s32 @!p0 s1  }
0x1f5: {  	[bflag:$0x3] =	sbarrier.arrive $0xFFFF  }
0x1f6: {  	_ =	shalt  }

</sc_bundles>
